<compile_context>
chip_gen: v7x
topology: tpu7x:2x2x1
jax: 0.10.2.dev20260603
libtpu: 0.0.44.dev20260713+nightly
codegen_flags: <defaults>
</compile_context>

<pallas_src>
import functools

import jax
import jax.numpy as jnp
import numpy as np
from jax import lax
from jax.experimental import pallas as pl
from jax.experimental.pallas import tpu as pltpu
from jax.experimental.pallas import tpu_sc as plsc

_D = 64
_ROW = 2 * _D
_EG = 0.57721566490153286
_EPS = 1e-23
_NC, _NS = 2, 16
_NW = _NC * _NS
_GCHUNK = 128
_L = 16


def _sc_gather(idx2d, table, half, nhalves):
    batch = idx2d.shape[0] * 64 // nhalves
    e_per_w = batch // _NW
    n_chunks = e_per_w // _GCHUNK
    idx_rows_per_w = 2 * e_per_w // 128
    idx_row0 = half * 2 * batch // 128
    mesh = plsc.VectorSubcoreMesh(core_axis_name="c", subcore_axis_name="s")

    @functools.partial(
        pl.kernel,
        out_type=jax.ShapeDtypeStruct((2 * batch, _ROW), jnp.float32),
        mesh=mesh,
        scratch_types=[
            pltpu.VMEM((idx_rows_per_w, 128), jnp.int32),
            pltpu.VMEM((_GCHUNK, _ROW), jnp.float32),
            pltpu.VMEM((_GCHUNK, _ROW), jnp.float32),
            pltpu.SemaphoreType.DMA,
            pltpu.SemaphoreType.DMA,
        ],
    )
    def gather_kernel(idx_hbm, table_hbm, out_hbm, pairs_v,
                      rows_a, rows_b, sem_a, sem_b):
        wid = lax.axis_index("s") * _NC + lax.axis_index("c")
        base = wid * e_per_w
        pltpu.sync_copy(
            idx_hbm.at[pl.ds(idx_row0 + wid * idx_rows_per_w,
                             idx_rows_per_w), :],
            pairs_v)
        jobs = []
        for j in range(n_chunks):
            jobs.append((pairs_v.at[2 * j], base + j * _GCHUNK))
        for j in range(n_chunks):
            jobs.append((pairs_v.at[2 * j + 1], batch + base + j * _GCHUNK))
        bufs = ((rows_a, sem_a), (rows_b, sem_b))
        pltpu.async_copy(table_hbm.at[jobs[0][0]], rows_a, sem_a)
        for j, (idx_ref, dst_off) in enumerate(jobs):
            buf, sem = bufs[j % 2]
            nbuf, nsem = bufs[(j + 1) % 2]
            if j + 1 < len(jobs):
                pltpu.async_copy(table_hbm.at[jobs[j + 1][0]], nbuf, nsem)
            pltpu.make_async_copy(table_hbm.at[idx_ref], buf, sem).wait()
            pltpu.sync_copy(buf, out_hbm.at[pl.ds(dst_off, _GCHUNK)])

    return gather_kernel(idx2d, table)


def _tc_compute(staging, batch):
    blk = 4096
    grid = batch // blk
    inv_k = float(np.exp(-2.0 * _EG))

    def body(sub_ref, sup_ref, o_ref):
        sub = sub_ref[...]
        sup = sup_ref[...]
        q = jnp.exp(sub[:, :_D] - sup[:, :_D])
        pda = 1.0 + jnp.exp(sub[:, _D:])
        pdb = 1.0 + jnp.exp(sup[:, _D:])
        qa = q * pda
        m = qa * pdb / ((qa + pdb) * (1.0 + q))
        num = jnp.log1p(m * inv_k) + _EPS
        den = jnp.log1p(pda * inv_k) + _EPS
        lsum = jnp.sum(jnp.log(num / den), axis=-1)
        o_ref[...] = jnp.clip(jnp.exp(lsum), 0.0, 1.0)

    return pl.pallas_call(
        body,
        grid=(grid,),
        in_specs=[
            pl.BlockSpec((blk, _ROW), lambda i: (i, 0)),
            pl.BlockSpec((blk, _ROW), lambda i: (i + grid, 0)),
        ],
        out_specs=pl.BlockSpec((blk,), lambda i: (i,)),
        out_shape=jax.ShapeDtypeStruct((batch,), jnp.float32),
    )(staging, staging)


def kernel(gci, table):
    batch = gci.shape[0]
    idx2d = (gci.T.reshape(2, batch // 128, 128)
             .transpose(1, 0, 2).reshape(batch // 64, 128))
    nh = 2
    stagings = [_sc_gather(idx2d, table, h, nh) for h in range(nh)]
    outs = [_tc_compute(s, batch // nh) for s in stagings]
    return jnp.concatenate(outs)

# --- scband reference (transcript-rebuilt; emitter-appended) ---
"""Pipeline reference for scband-box-gumbel-module-78159814853077 (READ-ONLY COPY).

The authoritative reference and input builder live on the scoring server;
editing this copy changes nothing except your own understanding.
"""

import jax, jax.numpy as jnp
import numpy as np

NBR_CLASSES = 1000000
EMBED_DIM = 64
INT_TEMP = 1.0
VOL_TEMP = 1.0
EULER_GAMMA = 0.57721566490153286
EPS = 1e-23
BATCH = 16384


def softplus(x, beta=1.0):
    return (1.0 / beta) * jnp.logaddexp(beta * x, 0.0)


def setup_inputs(seed: int = 0) -> dict:
    key = jax.random.key(seed)
    k1, k2 = jax.random.split(key)
    gci = jax.random.randint(k1, (BATCH, 2), 0, NBR_CLASSES, dtype=jnp.int32)
    # BoxEmbedding weight: each row is [z_vec (D), delta_vec (D)] (min-delta parameterization)
    table = jax.random.normal(k2, (NBR_CLASSES, 2 * EMBED_DIM), dtype=jnp.float32) * 0.1
    return {"gci": gci, "table": table}


def _boxes_from_vec(w):
    # min-delta box factory: z = first half, Z = z + softplus(second half)
    z = w[..., :EMBED_DIM]
    Z = z + softplus(w[..., EMBED_DIM:], beta=1.0)
    return z, Z


def _log_bessel_vol(z, Z):
    # BesselApproxVolume (log scale)
    return jnp.sum(
        jnp.log(softplus(Z - z - 2.0 * EULER_GAMMA * INT_TEMP, beta=1.0 / VOL_TEMP) + EPS),
        axis=-1,
    )


def reference(gci, table):
    # embedding lookup: [B, 2] -> [B, 2, 2*D]
    emb = jnp.take(table, gci, axis=0)
    z, Z = _boxes_from_vec(emb)
    z_sub, Z_sub = z[..., 0, :], Z[..., 0, :]
    z_sup, Z_sup = z[..., 1, :], Z[..., 1, :]
    # Gumbel intersection with temperature beta (max/min clamping for stability as in box_embeddings)
    beta = INT_TEMP
    z_meet = beta * jnp.logaddexp(z_sub / beta, z_sup / beta)
    z_meet = jnp.maximum(z_meet, jnp.maximum(z_sub, z_sup))
    Z_meet = -beta * jnp.logaddexp(-Z_sub / beta, -Z_sup / beta)
    Z_meet = jnp.minimum(Z_meet, jnp.minimum(Z_sub, Z_sup))
    x = jnp.exp(_log_bessel_vol(z_meet, Z_meet) - _log_bessel_vol(z_sub, Z_sub))
    return jnp.clip(x, 0.0, 1.0)

if __name__ == "__main__":
    import jax
    _d = setup_inputs()
    print(jax.jit(kernel)(*tuple(_d.values())))

</pallas_src>

<mosaic_0001>
#map = affine_map<(d0, d1) -> (0, 0)>
module attributes {stable_mosaic.version = 14 : i64} {
  func.func @gather_kernel(%arg0: i32, %arg1: i32, %arg2: memref<256x128xi32, #tpu.memory_space<hbm>>, %arg3: memref<1000000x128xf32, #tpu.memory_space<hbm>>, %arg4: memref<16384x128xf32, #tpu.memory_space<hbm>>, %arg5: memref<4x128xi32, #tpu.memory_space<vmem>>, %arg6: memref<128x128xf32, #tpu.memory_space<vmem>>, %arg7: memref<128x128xf32, #tpu.memory_space<vmem>>, %arg8: memref<!tpu.dma_semaphore, #tpu.memory_space<semaphore_mem>>, %arg9: memref<!tpu.dma_semaphore, #tpu.memory_space<semaphore_mem>>) attributes {dimension_semantics = [#tpu.dimension_semantics<core_parallel>, #tpu.dimension_semantics<subcore_parallel>], iteration_bounds = array<i64: 2, 16>, scalar_prefetch = 0 : i64, scratch_operands = 5 : i64, tpu.core_type = #tpu.core_type<sc_vector_subcore>, window_params = [{transform_indices = #map}, {transform_indices = #map}, {transform_indices = #map}]} {
    %mul3A = arith.constant 2 : i32
    %mul3A_0 = arith.muli %arg1, %mul3A : i32
    %add3A = arith.addi %mul3A_0, %arg0 : i32
    %mul3A_1 = arith.constant 256 : i32
    %mul3A_2 = arith.muli %add3A, %mul3A_1 : i32
    %mul3A_3 = arith.constant 4 : i32
    %mul3A_4 = arith.muli %add3A, %mul3A_3 : i32
    %add3A_5 = arith.constant 0 : i32
    %add3A_6 = arith.addi %add3A_5, %mul3A_4 : i32
    "tpu.region"() ({
      %run_scoped3A = tpu.sem_alloc : memref<!tpu.dma_semaphore, #tpu.memory_space<semaphore_mem>>
      %dma_start3A_73 = arith.constant 0 : i32
      %dma_start3A_74 = tpu.memref_slice %arg2[%add3A_6, %dma_start3A_73] : memref<256x128xi32, #tpu.memory_space<hbm>> -> memref<4x128xi32, #tpu.memory_space<hbm>>
      %dma_start3A_75 = arith.constant 0 : i32
      %dma_start3A_76 = tpu.memref_slice %arg2[%add3A_6, %dma_start3A_75] : memref<256x128xi32, #tpu.memory_space<hbm>> -> memref<4x128xi32, #tpu.memory_space<hbm>>
      tpu.enqueue_dma source(%dma_start3A_76 : memref<4x128xi32, #tpu.memory_space<hbm>>) target(%arg5 : memref<4x128xi32, #tpu.memory_space<vmem>>) target_semaphore(%run_scoped3A : memref<!tpu.dma_semaphore, #tpu.memory_space<semaphore_mem>>)
      %dma_wait3A_77 = arith.constant 0 : i32
      %dma_wait3A_78 = tpu.memref_slice %arg2[%add3A_6, %dma_wait3A_77] : memref<256x128xi32, #tpu.memory_space<hbm>> -> memref<4x128xi32, #tpu.memory_space<hbm>>
      %dma_wait3A_79 = arith.constant 0 : i32
      %dma_wait3A_80 = tpu.memref_slice %arg2[%add3A_6, %dma_wait3A_79] : memref<256x128xi32, #tpu.memory_space<hbm>> -> memref<4x128xi32, #tpu.memory_space<hbm>>
      tpu.wait_dma2 semaphore(%run_scoped3A : memref<!tpu.dma_semaphore, #tpu.memory_space<semaphore_mem>>) src(%dma_wait3A_80 : memref<4x128xi32, #tpu.memory_space<hbm>>) dst(%arg5 : memref<4x128xi32, #tpu.memory_space<vmem>>)
      tpu.yield
    }) : () -> ()
    %add3A_7 = arith.constant 0 : i32
    %add3A_8 = arith.addi %mul3A_2, %add3A_7 : i32
    %add3A_9 = arith.constant 128 : i32
    %add3A_10 = arith.addi %mul3A_2, %add3A_9 : i32
    %add3A_11 = arith.constant 8192 : i32
    %add3A_12 = arith.addi %add3A_11, %mul3A_2 : i32
    %add3A_13 = arith.constant 0 : i32
    %add3A_14 = arith.addi %add3A_12, %add3A_13 : i32
    %add3A_15 = arith.constant 8192 : i32
    %add3A_16 = arith.addi %add3A_15, %mul3A_2 : i32
    %add3A_17 = arith.constant 128 : i32
    %add3A_18 = arith.addi %add3A_16, %add3A_17 : i32
    %dma_start3A = arith.constant 0 : i32
    %dma_start3A_19 = arith.constant 0 : i32
    %dma_start3A_20 = tpu.memref_slice %arg5[%dma_start3A, %dma_start3A_19] : memref<4x128xi32, #tpu.memory_space<vmem>> -> memref<1x128xi32, #tpu.memory_space<vmem>>
    %dma_start3A_21 = tpu.memref_squeeze %dma_start3A_20 : memref<1x128xi32, #tpu.memory_space<vmem>> -> memref<128xi32, #tpu.memory_space<vmem>>
    %dma_start3A_22 = arith.constant 0 : i32
    %dma_start3A_23 = arith.constant 0 : i32
    %dma_start3A_24 = tpu.memref_slice %arg3[%dma_start3A_22, %dma_start3A_23] : memref<1000000x128xf32, #tpu.memory_space<hbm>> -> memref<1000000x128xf32, #tpu.memory_space<hbm>>
    tpu.enqueue_indirect_dma source(%dma_start3A_24 : memref<1000000x128xf32, #tpu.memory_space<hbm>>) target(%arg6 : memref<128x128xf32, #tpu.memory_space<vmem>>) offsets(%dma_start3A_21 : memref<128xi32, #tpu.memory_space<vmem>>) semaphore(%arg8 : memref<!tpu.dma_semaphore, #tpu.memory_space<semaphore_mem>>)
    %dma_start3A_25 = arith.constant 2 : i32
    %dma_start3A_26 = arith.constant 0 : i32
    %dma_start3A_27 = tpu.memref_slice %arg5[%dma_start3A_25, %dma_start3A_26] : memref<4x128xi32, #tpu.memory_space<vmem>> -> memref<1x128xi32, #tpu.memory_space<vmem>>
    %dma_start3A_28 = tpu.memref_squeeze %dma_start3A_27 : memref<1x128xi32, #tpu.memory_space<vmem>> -> memref<128xi32, #tpu.memory_space<vmem>>
    %dma_start3A_29 = arith.constant 0 : i32
    %dma_start3A_30 = arith.constant 0 : i32
    %dma_start3A_31 = tpu.memref_slice %arg3[%dma_start3A_29, %dma_start3A_30] : memref<1000000x128xf32, #tpu.memory_space<hbm>> -> memref<1000000x128xf32, #tpu.memory_space<hbm>>
    tpu.enqueue_indirect_dma source(%dma_start3A_31 : memref<1000000x128xf32, #tpu.memory_space<hbm>>) target(%arg7 : memref<128x128xf32, #tpu.memory_space<vmem>>) offsets(%dma_start3A_28 : memref<128xi32, #tpu.memory_space<vmem>>) semaphore(%arg9 : memref<!tpu.dma_semaphore, #tpu.memory_space<semaphore_mem>>)
    %dma_wait3A = arith.constant 0 : i32
    %dma_wait3A_32 = arith.constant 0 : i32
    %dma_wait3A_33 = tpu.memref_slice %arg5[%dma_wait3A, %dma_wait3A_32] : memref<4x128xi32, #tpu.memory_space<vmem>> -> memref<1x128xi32, #tpu.memory_space<vmem>>
    %dma_wait3A_34 = tpu.memref_squeeze %dma_wait3A_33 : memref<1x128xi32, #tpu.memory_space<vmem>> -> memref<128xi32, #tpu.memory_space<vmem>>
    %dma_wait3A_35 = arith.constant 0 : i32
    %dma_wait3A_36 = arith.constant 0 : i32
    %dma_wait3A_37 = tpu.memref_slice %arg3[%dma_wait3A_35, %dma_wait3A_36] : memref<1000000x128xf32, #tpu.memory_space<hbm>> -> memref<1000000x128xf32, #tpu.memory_space<hbm>>
    tpu.wait_indirect_dma semaphore(%arg8 : memref<!tpu.dma_semaphore, #tpu.memory_space<semaphore_mem>>) src(%dma_wait3A_37 : memref<1000000x128xf32, #tpu.memory_space<hbm>>) dst(%arg6 : memref<128x128xf32, #tpu.memory_space<vmem>>)
    "tpu.region"() ({
      %run_scoped3A = tpu.sem_alloc : memref<!tpu.dma_semaphore, #tpu.memory_space<semaphore_mem>>
      %dma_start3A_73 = arith.constant 0 : i32
      %dma_start3A_74 = tpu.memref_slice %arg4[%add3A_8, %dma_start3A_73] : memref<16384x128xf32, #tpu.memory_space<hbm>> -> memref<128x128xf32, #tpu.memory_space<hbm>>
      %dma_start3A_75 = arith.constant 0 : i32
      %dma_start3A_76 = tpu.memref_slice %arg4[%add3A_8, %dma_start3A_75] : memref<16384x128xf32, #tpu.memory_space<hbm>> -> memref<128x128xf32, #tpu.memory_space<hbm>>
      tpu.enqueue_dma source(%arg6 : memref<128x128xf32, #tpu.memory_space<vmem>>) target(%dma_start3A_76 : memref<128x128xf32, #tpu.memory_space<hbm>>) target_semaphore(%run_scoped3A : memref<!tpu.dma_semaphore, #tpu.memory_space<semaphore_mem>>)
      %dma_wait3A_77 = arith.constant 0 : i32
      %dma_wait3A_78 = tpu.memref_slice %arg4[%add3A_8, %dma_wait3A_77] : memref<16384x128xf32, #tpu.memory_space<hbm>> -> memref<128x128xf32, #tpu.memory_space<hbm>>
      %dma_wait3A_79 = arith.constant 0 : i32
      %dma_wait3A_80 = tpu.memref_slice %arg4[%add3A_8, %dma_wait3A_79] : memref<16384x128xf32, #tpu.memory_space<hbm>> -> memref<128x128xf32, #tpu.memory_space<hbm>>
      tpu.wait_dma2 semaphore(%run_scoped3A : memref<!tpu.dma_semaphore, #tpu.memory_space<semaphore_mem>>) src(%arg6 : memref<128x128xf32, #tpu.memory_space<vmem>>) dst(%dma_wait3A_80 : memref<128x128xf32, #tpu.memory_space<hbm>>)
      tpu.yield
    }) : () -> ()
    %dma_start3A_38 = arith.constant 1 : i32
    %dma_start3A_39 = arith.constant 0 : i32
    %dma_start3A_40 = tpu.memref_slice %arg5[%dma_start3A_38, %dma_start3A_39] : memref<4x128xi32, #tpu.memory_space<vmem>> -> memref<1x128xi32, #tpu.memory_space<vmem>>
    %dma_start3A_41 = tpu.memref_squeeze %dma_start3A_40 : memref<1x128xi32, #tpu.memory_space<vmem>> -> memref<128xi32, #tpu.memory_space<vmem>>
    %dma_start3A_42 = arith.constant 0 : i32
    %dma_start3A_43 = arith.constant 0 : i32
    %dma_start3A_44 = tpu.memref_slice %arg3[%dma_start3A_42, %dma_start3A_43] : memref<1000000x128xf32, #tpu.memory_space<hbm>> -> memref<1000000x128xf32, #tpu.memory_space<hbm>>
    tpu.enqueue_indirect_dma source(%dma_start3A_44 : memref<1000000x128xf32, #tpu.memory_space<hbm>>) target(%arg6 : memref<128x128xf32, #tpu.memory_space<vmem>>) offsets(%dma_start3A_41 : memref<128xi32, #tpu.memory_space<vmem>>) semaphore(%arg8 : memref<!tpu.dma_semaphore, #tpu.memory_space<semaphore_mem>>)
    %dma_wait3A_45 = arith.constant 2 : i32
    %dma_wait3A_46 = arith.constant 0 : i32
    %dma_wait3A_47 = tpu.memref_slice %arg5[%dma_wait3A_45, %dma_wait3A_46] : memref<4x128xi32, #tpu.memory_space<vmem>> -> memref<1x128xi32, #tpu.memory_space<vmem>>
    %dma_wait3A_48 = tpu.memref_squeeze %dma_wait3A_47 : memref<1x128xi32, #tpu.memory_space<vmem>> -> memref<128xi32, #tpu.memory_space<vmem>>
    %dma_wait3A_49 = arith.constant 0 : i32
    %dma_wait3A_50 = arith.constant 0 : i32
    %dma_wait3A_51 = tpu.memref_slice %arg3[%dma_wait3A_49, %dma_wait3A_50] : memref<1000000x128xf32, #tpu.memory_space<hbm>> -> memref<1000000x128xf32, #tpu.memory_space<hbm>>
    tpu.wait_indirect_dma semaphore(%arg9 : memref<!tpu.dma_semaphore, #tpu.memory_space<semaphore_mem>>) src(%dma_wait3A_51 : memref<1000000x128xf32, #tpu.memory_space<hbm>>) dst(%arg7 : memref<128x128xf32, #tpu.memory_space<vmem>>)
    "tpu.region"() ({
      %run_scoped3A = tpu.sem_alloc : memref<!tpu.dma_semaphore, #tpu.memory_space<semaphore_mem>>
      %dma_start3A_73 = arith.constant 0 : i32
      %dma_start3A_74 = tpu.memref_slice %arg4[%add3A_10, %dma_start3A_73] : memref<16384x128xf32, #tpu.memory_space<hbm>> -> memref<128x128xf32, #tpu.memory_space<hbm>>
      %dma_start3A_75 = arith.constant 0 : i32
      %dma_start3A_76 = tpu.memref_slice %arg4[%add3A_10, %dma_start3A_75] : memref<16384x128xf32, #tpu.memory_space<hbm>> -> memref<128x128xf32, #tpu.memory_space<hbm>>
      tpu.enqueue_dma source(%arg7 : memref<128x128xf32, #tpu.memory_space<vmem>>) target(%dma_start3A_76 : memref<128x128xf32, #tpu.memory_space<hbm>>) target_semaphore(%run_scoped3A : memref<!tpu.dma_semaphore, #tpu.memory_space<semaphore_mem>>)
      %dma_wait3A_77 = arith.constant 0 : i32
      %dma_wait3A_78 = tpu.memref_slice %arg4[%add3A_10, %dma_wait3A_77] : memref<16384x128xf32, #tpu.memory_space<hbm>> -> memref<128x128xf32, #tpu.memory_space<hbm>>
      %dma_wait3A_79 = arith.constant 0 : i32
      %dma_wait3A_80 = tpu.memref_slice %arg4[%add3A_10, %dma_wait3A_79] : memref<16384x128xf32, #tpu.memory_space<hbm>> -> memref<128x128xf32, #tpu.memory_space<hbm>>
      tpu.wait_dma2 semaphore(%run_scoped3A : memref<!tpu.dma_semaphore, #tpu.memory_space<semaphore_mem>>) src(%arg7 : memref<128x128xf32, #tpu.memory_space<vmem>>) dst(%dma_wait3A_80 : memref<128x128xf32, #tpu.memory_space<hbm>>)
      tpu.yield
    }) : () -> ()
    %dma_start3A_52 = arith.constant 3 : i32
    %dma_start3A_53 = arith.constant 0 : i32
    %dma_start3A_54 = tpu.memref_slice %arg5[%dma_start3A_52, %dma_start3A_53] : memref<4x128xi32, #tpu.memory_space<vmem>> -> memref<1x128xi32, #tpu.memory_space<vmem>>
    %dma_start3A_55 = tpu.memref_squeeze %dma_start3A_54 : memref<1x128xi32, #tpu.memory_space<vmem>> -> memref<128xi32, #tpu.memory_space<vmem>>
    %dma_start3A_56 = arith.constant 0 : i32
    %dma_start3A_57 = arith.constant 0 : i32
    %dma_start3A_58 = tpu.memref_slice %arg3[%dma_start3A_56, %dma_start3A_57] : memref<1000000x128xf32, #tpu.memory_space<hbm>> -> memref<1000000x128xf32, #tpu.memory_space<hbm>>
    tpu.enqueue_indirect_dma source(%dma_start3A_58 : memref<1000000x128xf32, #tpu.memory_space<hbm>>) target(%arg7 : memref<128x128xf32, #tpu.memory_space<vmem>>) offsets(%dma_start3A_55 : memref<128xi32, #tpu.memory_space<vmem>>) semaphore(%arg9 : memref<!tpu.dma_semaphore, #tpu.memory_space<semaphore_mem>>)
    %dma_wait3A_59 = arith.constant 1 : i32
    %dma_wait3A_60 = arith.constant 0 : i32
    %dma_wait3A_61 = tpu.memref_slice %arg5[%dma_wait3A_59, %dma_wait3A_60] : memref<4x128xi32, #tpu.memory_space<vmem>> -> memref<1x128xi32, #tpu.memory_space<vmem>>
    %dma_wait3A_62 = tpu.memref_squeeze %dma_wait3A_61 : memref<1x128xi32, #tpu.memory_space<vmem>> -> memref<128xi32, #tpu.memory_space<vmem>>
    %dma_wait3A_63 = arith.constant 0 : i32
    %dma_wait3A_64 = arith.constant 0 : i32
    %dma_wait3A_65 = tpu.memref_slice %arg3[%dma_wait3A_63, %dma_wait3A_64] : memref<1000000x128xf32, #tpu.memory_space<hbm>> -> memref<1000000x128xf32, #tpu.memory_space<hbm>>
    tpu.wait_indirect_dma semaphore(%arg8 : memref<!tpu.dma_semaphore, #tpu.memory_space<semaphore_mem>>) src(%dma_wait3A_65 : memref<1000000x128xf32, #tpu.memory_space<hbm>>) dst(%arg6 : memref<128x128xf32, #tpu.memory_space<vmem>>)
    "tpu.region"() ({
      %run_scoped3A = tpu.sem_alloc : memref<!tpu.dma_semaphore, #tpu.memory_space<semaphore_mem>>
      %dma_start3A_73 = arith.constant 0 : i32
      %dma_start3A_74 = tpu.memref_slice %arg4[%add3A_14, %dma_start3A_73] : memref<16384x128xf32, #tpu.memory_space<hbm>> -> memref<128x128xf32, #tpu.memory_space<hbm>>
      %dma_start3A_75 = arith.constant 0 : i32
      %dma_start3A_76 = tpu.memref_slice %arg4[%add3A_14, %dma_start3A_75] : memref<16384x128xf32, #tpu.memory_space<hbm>> -> memref<128x128xf32, #tpu.memory_space<hbm>>
      tpu.enqueue_dma source(%arg6 : memref<128x128xf32, #tpu.memory_space<vmem>>) target(%dma_start3A_76 : memref<128x128xf32, #tpu.memory_space<hbm>>) target_semaphore(%run_scoped3A : memref<!tpu.dma_semaphore, #tpu.memory_space<semaphore_mem>>)
      %dma_wait3A_77 = arith.constant 0 : i32
      %dma_wait3A_78 = tpu.memref_slice %arg4[%add3A_14, %dma_wait3A_77] : memref<16384x128xf32, #tpu.memory_space<hbm>> -> memref<128x128xf32, #tpu.memory_space<hbm>>
      %dma_wait3A_79 = arith.constant 0 : i32
      %dma_wait3A_80 = tpu.memref_slice %arg4[%add3A_14, %dma_wait3A_79] : memref<16384x128xf32, #tpu.memory_space<hbm>> -> memref<128x128xf32, #tpu.memory_space<hbm>>
      tpu.wait_dma2 semaphore(%run_scoped3A : memref<!tpu.dma_semaphore, #tpu.memory_space<semaphore_mem>>) src(%arg6 : memref<128x128xf32, #tpu.memory_space<vmem>>) dst(%dma_wait3A_80 : memref<128x128xf32, #tpu.memory_space<hbm>>)
      tpu.yield
    }) : () -> ()
    %dma_wait3A_66 = arith.constant 3 : i32
    %dma_wait3A_67 = arith.constant 0 : i32
    %dma_wait3A_68 = tpu.memref_slice %arg5[%dma_wait3A_66, %dma_wait3A_67] : memref<4x128xi32, #tpu.memory_space<vmem>> -> memref<1x128xi32, #tpu.memory_space<vmem>>
    %dma_wait3A_69 = tpu.memref_squeeze %dma_wait3A_68 : memref<1x128xi32, #tpu.memory_space<vmem>> -> memref<128xi32, #tpu.memory_space<vmem>>
    %dma_wait3A_70 = arith.constant 0 : i32
    %dma_wait3A_71 = arith.constant 0 : i32
    %dma_wait3A_72 = tpu.memref_slice %arg3[%dma_wait3A_70, %dma_wait3A_71] : memref<1000000x128xf32, #tpu.memory_space<hbm>> -> memref<1000000x128xf32, #tpu.memory_space<hbm>>
    tpu.wait_indirect_dma semaphore(%arg9 : memref<!tpu.dma_semaphore, #tpu.memory_space<semaphore_mem>>) src(%dma_wait3A_72 : memref<1000000x128xf32, #tpu.memory_space<hbm>>) dst(%arg7 : memref<128x128xf32, #tpu.memory_space<vmem>>)
    "tpu.region"() ({
      %run_scoped3A = tpu.sem_alloc : memref<!tpu.dma_semaphore, #tpu.memory_space<semaphore_mem>>
      %dma_start3A_73 = arith.constant 0 : i32
      %dma_start3A_74 = tpu.memref_slice %arg4[%add3A_18, %dma_start3A_73] : memref<16384x128xf32, #tpu.memory_space<hbm>> -> memref<128x128xf32, #tpu.memory_space<hbm>>
      %dma_start3A_75 = arith.constant 0 : i32
      %dma_start3A_76 = tpu.memref_slice %arg4[%add3A_18, %dma_start3A_75] : memref<16384x128xf32, #tpu.memory_space<hbm>> -> memref<128x128xf32, #tpu.memory_space<hbm>>
      tpu.enqueue_dma source(%arg7 : memref<128x128xf32, #tpu.memory_space<vmem>>) target(%dma_start3A_76 : memref<128x128xf32, #tpu.memory_space<hbm>>) target_semaphore(%run_scoped3A : memref<!tpu.dma_semaphore, #tpu.memory_space<semaphore_mem>>)
      %dma_wait3A_77 = arith.constant 0 : i32
      %dma_wait3A_78 = tpu.memref_slice %arg4[%add3A_18, %dma_wait3A_77] : memref<16384x128xf32, #tpu.memory_space<hbm>> -> memref<128x128xf32, #tpu.memory_space<hbm>>
      %dma_wait3A_79 = arith.constant 0 : i32
      %dma_wait3A_80 = tpu.memref_slice %arg4[%add3A_18, %dma_wait3A_79] : memref<16384x128xf32, #tpu.memory_space<hbm>> -> memref<128x128xf32, #tpu.memory_space<hbm>>
      tpu.wait_dma2 semaphore(%run_scoped3A : memref<!tpu.dma_semaphore, #tpu.memory_space<semaphore_mem>>) src(%arg7 : memref<128x128xf32, #tpu.memory_space<vmem>>) dst(%dma_wait3A_80 : memref<128x128xf32, #tpu.memory_space<hbm>>)
      tpu.yield
    }) : () -> ()
    return
  }
}

#map = affine_map<(d0, d1) -> (0, 0)>
module attributes {stable_mosaic.version = 14 : i64} {
  func.func @gather_kernel(%arg0: i32, %arg1: i32, %arg2: memref<256x128xi32, #tpu.memory_space<hbm>>, %arg3: memref<1000000x128xf32, #tpu.memory_space<hbm>>, %arg4: memref<16384x128xf32, #tpu.memory_space<hbm>>, %arg5: memref<4x128xi32, #tpu.memory_space<vmem>>, %arg6: memref<128x128xf32, #tpu.memory_space<vmem>>, %arg7: memref<128x128xf32, #tpu.memory_space<vmem>>, %arg8: memref<!tpu.dma_semaphore, #tpu.memory_space<semaphore_mem>>, %arg9: memref<!tpu.dma_semaphore, #tpu.memory_space<semaphore_mem>>) attributes {dimension_semantics = [#tpu.dimension_semantics<core_parallel>, #tpu.dimension_semantics<subcore_parallel>], iteration_bounds = array<i64: 2, 16>, scalar_prefetch = 0 : i64, scratch_operands = 5 : i64, tpu.core_type = #tpu.core_type<sc_vector_subcore>, window_params = [{transform_indices = #map}, {transform_indices = #map}, {transform_indices = #map}]} {
    %mul3A = arith.constant 2 : i32
    %mul3A_0 = arith.muli %arg1, %mul3A : i32
    %add3A = arith.addi %mul3A_0, %arg0 : i32
    %mul3A_1 = arith.constant 256 : i32
    %mul3A_2 = arith.muli %add3A, %mul3A_1 : i32
    %mul3A_3 = arith.constant 4 : i32
    %mul3A_4 = arith.muli %add3A, %mul3A_3 : i32
    %add3A_5 = arith.constant 128 : i32
    %add3A_6 = arith.addi %add3A_5, %mul3A_4 : i32
    "tpu.region"() ({
      %run_scoped3A = tpu.sem_alloc : memref<!tpu.dma_semaphore, #tpu.memory_space<semaphore_mem>>
      %dma_start3A_73 = arith.constant 0 : i32
      %dma_start3A_74 = tpu.memref_slice %arg2[%add3A_6, %dma_start3A_73] : memref<256x128xi32, #tpu.memory_space<hbm>> -> memref<4x128xi32, #tpu.memory_space<hbm>>
      %dma_start3A_75 = arith.constant 0 : i32
      %dma_start3A_76 = tpu.memref_slice %arg2[%add3A_6, %dma_start3A_75] : memref<256x128xi32, #tpu.memory_space<hbm>> -> memref<4x128xi32, #tpu.memory_space<hbm>>
      tpu.enqueue_dma source(%dma_start3A_76 : memref<4x128xi32, #tpu.memory_space<hbm>>) target(%arg5 : memref<4x128xi32, #tpu.memory_space<vmem>>) target_semaphore(%run_scoped3A : memref<!tpu.dma_semaphore, #tpu.memory_space<semaphore_mem>>)
      %dma_wait3A_77 = arith.constant 0 : i32
      %dma_wait3A_78 = tpu.memref_slice %arg2[%add3A_6, %dma_wait3A_77] : memref<256x128xi32, #tpu.memory_space<hbm>> -> memref<4x128xi32, #tpu.memory_space<hbm>>
      %dma_wait3A_79 = arith.constant 0 : i32
      %dma_wait3A_80 = tpu.memref_slice %arg2[%add3A_6, %dma_wait3A_79] : memref<256x128xi32, #tpu.memory_space<hbm>> -> memref<4x128xi32, #tpu.memory_space<hbm>>
      tpu.wait_dma2 semaphore(%run_scoped3A : memref<!tpu.dma_semaphore, #tpu.memory_space<semaphore_mem>>) src(%dma_wait3A_80 : memref<4x128xi32, #tpu.memory_space<hbm>>) dst(%arg5 : memref<4x128xi32, #tpu.memory_space<vmem>>)
      tpu.yield
    }) : () -> ()
    %add3A_7 = arith.constant 0 : i32
    %add3A_8 = arith.addi %mul3A_2, %add3A_7 : i32
    %add3A_9 = arith.constant 128 : i32
    %add3A_10 = arith.addi %mul3A_2, %add3A_9 : i32
    %add3A_11 = arith.constant 8192 : i32
    %add3A_12 = arith.addi %add3A_11, %mul3A_2 : i32
    %add3A_13 = arith.constant 0 : i32
    %add3A_14 = arith.addi %add3A_12, %add3A_13 : i32
    %add3A_15 = arith.constant 8192 : i32
    %add3A_16 = arith.addi %add3A_15, %mul3A_2 : i32
    %add3A_17 = arith.constant 128 : i32
    %add3A_18 = arith.addi %add3A_16, %add3A_17 : i32
    %dma_start3A = arith.constant 0 : i32
    %dma_start3A_19 = arith.constant 0 : i32
    %dma_start3A_20 = tpu.memref_slice %arg5[%dma_start3A, %dma_start3A_19] : memref<4x128xi32, #tpu.memory_space<vmem>> -> memref<1x128xi32, #tpu.memory_space<vmem>>
    %dma_start3A_21 = tpu.memref_squeeze %dma_start3A_20 : memref<1x128xi32, #tpu.memory_space<vmem>> -> memref<128xi32, #tpu.memory_space<vmem>>
    %dma_start3A_22 = arith.constant 0 : i32
    %dma_start3A_23 = arith.constant 0 : i32
    %dma_start3A_24 = tpu.memref_slice %arg3[%dma_start3A_22, %dma_start3A_23] : memref<1000000x128xf32, #tpu.memory_space<hbm>> -> memref<1000000x128xf32, #tpu.memory_space<hbm>>
    tpu.enqueue_indirect_dma source(%dma_start3A_24 : memref<1000000x128xf32, #tpu.memory_space<hbm>>) target(%arg6 : memref<128x128xf32, #tpu.memory_space<vmem>>) offsets(%dma_start3A_21 : memref<128xi32, #tpu.memory_space<vmem>>) semaphore(%arg8 : memref<!tpu.dma_semaphore, #tpu.memory_space<semaphore_mem>>)
    %dma_start3A_25 = arith.constant 2 : i32
    %dma_start3A_26 = arith.constant 0 : i32
    %dma_start3A_27 = tpu.memref_slice %arg5[%dma_start3A_25, %dma_start3A_26] : memref<4x128xi32, #tpu.memory_space<vmem>> -> memref<1x128xi32, #tpu.memory_space<vmem>>
    %dma_start3A_28 = tpu.memref_squeeze %dma_start3A_27 : memref<1x128xi32, #tpu.memory_space<vmem>> -> memref<128xi32, #tpu.memory_space<vmem>>
    %dma_start3A_29 = arith.constant 0 : i32
    %dma_start3A_30 = arith.constant 0 : i32
    %dma_start3A_31 = tpu.memref_slice %arg3[%dma_start3A_29, %dma_start3A_30] : memref<1000000x128xf32, #tpu.memory_space<hbm>> -> memref<1000000x128xf32, #tpu.memory_space<hbm>>
    tpu.enqueue_indirect_dma source(%dma_start3A_31 : memref<1000000x128xf32, #tpu.memory_space<hbm>>) target(%arg7 : memref<128x128xf32, #tpu.memory_space<vmem>>) offsets(%dma_start3A_28 : memref<128xi32, #tpu.memory_space<vmem>>) semaphore(%arg9 : memref<!tpu.dma_semaphore, #tpu.memory_space<semaphore_mem>>)
    %dma_wait3A = arith.constant 0 : i32
    %dma_wait3A_32 = arith.constant 0 : i32
    %dma_wait3A_33 = tpu.memref_slice %arg5[%dma_wait3A, %dma_wait3A_32] : memref<4x128xi32, #tpu.memory_space<vmem>> -> memref<1x128xi32, #tpu.memory_space<vmem>>
    %dma_wait3A_34 = tpu.memref_squeeze %dma_wait3A_33 : memref<1x128xi32, #tpu.memory_space<vmem>> -> memref<128xi32, #tpu.memory_space<vmem>>
    %dma_wait3A_35 = arith.constant 0 : i32
    %dma_wait3A_36 = arith.constant 0 : i32
    %dma_wait3A_37 = tpu.memref_slice %arg3[%dma_wait3A_35, %dma_wait3A_36] : memref<1000000x128xf32, #tpu.memory_space<hbm>> -> memref<1000000x128xf32, #tpu.memory_space<hbm>>
    tpu.wait_indirect_dma semaphore(%arg8 : memref<!tpu.dma_semaphore, #tpu.memory_space<semaphore_mem>>) src(%dma_wait3A_37 : memref<1000000x128xf32, #tpu.memory_space<hbm>>) dst(%arg6 : memref<128x128xf32, #tpu.memory_space<vmem>>)
    "tpu.region"() ({
      %run_scoped3A = tpu.sem_alloc : memref<!tpu.dma_semaphore, #tpu.memory_space<semaphore_mem>>
      %dma_start3A_73 = arith.constant 0 : i32
      %dma_start3A_74 = tpu.memref_slice %arg4[%add3A_8, %dma_start3A_73] : memref<16384x128xf32, #tpu.memory_space<hbm>> -> memref<128x128xf32, #tpu.memory_space<hbm>>
      %dma_start3A_75 = arith.constant 0 : i32
      %dma_start3A_76 = tpu.memref_slice %arg4[%add3A_8, %dma_start3A_75] : memref<16384x128xf32, #tpu.memory_space<hbm>> -> memref<128x128xf32, #tpu.memory_space<hbm>>
      tpu.enqueue_dma source(%arg6 : memref<128x128xf32, #tpu.memory_space<vmem>>) target(%dma_start3A_76 : memref<128x128xf32, #tpu.memory_space<hbm>>) target_semaphore(%run_scoped3A : memref<!tpu.dma_semaphore, #tpu.memory_space<semaphore_mem>>)
      %dma_wait3A_77 = arith.constant 0 : i32
      %dma_wait3A_78 = tpu.memref_slice %arg4[%add3A_8, %dma_wait3A_77] : memref<16384x128xf32, #tpu.memory_space<hbm>> -> memref<128x128xf32, #tpu.memory_space<hbm>>
      %dma_wait3A_79 = arith.constant 0 : i32
      %dma_wait3A_80 = tpu.memref_slice %arg4[%add3A_8, %dma_wait3A_79] : memref<16384x128xf32, #tpu.memory_space<hbm>> -> memref<128x128xf32, #tpu.memory_space<hbm>>
      tpu.wait_dma2 semaphore(%run_scoped3A : memref<!tpu.dma_semaphore, #tpu.memory_space<semaphore_mem>>) src(%arg6 : memref<128x128xf32, #tpu.memory_space<vmem>>) dst(%dma_wait3A_80 : memref<128x128xf32, #tpu.memory_space<hbm>>)
      tpu.yield
    }) : () -> ()
    %dma_start3A_38 = arith.constant 1 : i32
    %dma_start3A_39 = arith.constant 0 : i32
    %dma_start3A_40 = tpu.memref_slice %arg5[%dma_start3A_38, %dma_start3A_39] : memref<4x128xi32, #tpu.memory_space<vmem>> -> memref<1x128xi32, #tpu.memory_space<vmem>>
    %dma_start3A_41 = tpu.memref_squeeze %dma_start3A_40 : memref<1x128xi32, #tpu.memory_space<vmem>> -> memref<128xi32, #tpu.memory_space<vmem>>
    %dma_start3A_42 = arith.constant 0 : i32
    %dma_start3A_43 = arith.constant 0 : i32
    %dma_start3A_44 = tpu.memref_slice %arg3[%dma_start3A_42, %dma_start3A_43] : memref<1000000x128xf32, #tpu.memory_space<hbm>> -> memref<1000000x128xf32, #tpu.memory_space<hbm>>
    tpu.enqueue_indirect_dma source(%dma_start3A_44 : memref<1000000x128xf32, #tpu.memory_space<hbm>>) target(%arg6 : memref<128x128xf32, #tpu.memory_space<vmem>>) offsets(%dma_start3A_41 : memref<128xi32, #tpu.memory_space<vmem>>) semaphore(%arg8 : memref<!tpu.dma_semaphore, #tpu.memory_space<semaphore_mem>>)
    %dma_wait3A_45 = arith.constant 2 : i32
    %dma_wait3A_46 = arith.constant 0 : i32
    %dma_wait3A_47 = tpu.memref_slice %arg5[%dma_wait3A_45, %dma_wait3A_46] : memref<4x128xi32, #tpu.memory_space<vmem>> -> memref<1x128xi32, #tpu.memory_space<vmem>>
    %dma_wait3A_48 = tpu.memref_squeeze %dma_wait3A_47 : memref<1x128xi32, #tpu.memory_space<vmem>> -> memref<128xi32, #tpu.memory_space<vmem>>
    %dma_wait3A_49 = arith.constant 0 : i32
    %dma_wait3A_50 = arith.constant 0 : i32
    %dma_wait3A_51 = tpu.memref_slice %arg3[%dma_wait3A_49, %dma_wait3A_50] : memref<1000000x128xf32, #tpu.memory_space<hbm>> -> memref<1000000x128xf32, #tpu.memory_space<hbm>>
    tpu.wait_indirect_dma semaphore(%arg9 : memref<!tpu.dma_semaphore, #tpu.memory_space<semaphore_mem>>) src(%dma_wait3A_51 : memref<1000000x128xf32, #tpu.memory_space<hbm>>) dst(%arg7 : memref<128x128xf32, #tpu.memory_space<vmem>>)
    "tpu.region"() ({
      %run_scoped3A = tpu.sem_alloc : memref<!tpu.dma_semaphore, #tpu.memory_space<semaphore_mem>>
      %dma_start3A_73 = arith.constant 0 : i32
      %dma_start3A_74 = tpu.memref_slice %arg4[%add3A_10, %dma_start3A_73] : memref<16384x128xf32, #tpu.memory_space<hbm>> -> memref<128x128xf32, #tpu.memory_space<hbm>>
      %dma_start3A_75 = arith.constant 0 : i32
      %dma_start3A_76 = tpu.memref_slice %arg4[%add3A_10, %dma_start3A_75] : memref<16384x128xf32, #tpu.memory_space<hbm>> -> memref<128x128xf32, #tpu.memory_space<hbm>>
      tpu.enqueue_dma source(%arg7 : memref<128x128xf32, #tpu.memory_space<vmem>>) target(%dma_start3A_76 : memref<128x128xf32, #tpu.memory_space<hbm>>) target_semaphore(%run_scoped3A : memref<!tpu.dma_semaphore, #tpu.memory_space<semaphore_mem>>)
      %dma_wait3A_77 = arith.constant 0 : i32
      %dma_wait3A_78 = tpu.memref_slice %arg4[%add3A_10, %dma_wait3A_77] : memref<16384x128xf32, #tpu.memory_space<hbm>> -> memref<128x128xf32, #tpu.memory_space<hbm>>
      %dma_wait3A_79 = arith.constant 0 : i32
      %dma_wait3A_80 = tpu.memref_slice %arg4[%add3A_10, %dma_wait3A_79] : memref<16384x128xf32, #tpu.memory_space<hbm>> -> memref<128x128xf32, #tpu.memory_space<hbm>>
      tpu.wait_dma2 semaphore(%run_scoped3A : memref<!tpu.dma_semaphore, #tpu.memory_space<semaphore_mem>>) src(%arg7 : memref<128x128xf32, #tpu.memory_space<vmem>>) dst(%dma_wait3A_80 : memref<128x128xf32, #tpu.memory_space<hbm>>)
      tpu.yield
    }) : () -> ()
    %dma_start3A_52 = arith.constant 3 : i32
    %dma_start3A_53 = arith.constant 0 : i32
    %dma_start3A_54 = tpu.memref_slice %arg5[%dma_start3A_52, %dma_start3A_53] : memref<4x128xi32, #tpu.memory_space<vmem>> -> memref<1x128xi32, #tpu.memory_space<vmem>>
    %dma_start3A_55 = tpu.memref_squeeze %dma_start3A_54 : memref<1x128xi32, #tpu.memory_space<vmem>> -> memref<128xi32, #tpu.memory_space<vmem>>
    %dma_start3A_56 = arith.constant 0 : i32
    %dma_start3A_57 = arith.constant 0 : i32
    %dma_start3A_58 = tpu.memref_slice %arg3[%dma_start3A_56, %dma_start3A_57] : memref<1000000x128xf32, #tpu.memory_space<hbm>> -> memref<1000000x128xf32, #tpu.memory_space<hbm>>
    tpu.enqueue_indirect_dma source(%dma_start3A_58 : memref<1000000x128xf32, #tpu.memory_space<hbm>>) target(%arg7 : memref<128x128xf32, #tpu.memory_space<vmem>>) offsets(%dma_start3A_55 : memref<128xi32, #tpu.memory_space<vmem>>) semaphore(%arg9 : memref<!tpu.dma_semaphore, #tpu.memory_space<semaphore_mem>>)
    %dma_wait3A_59 = arith.constant 1 : i32
    %dma_wait3A_60 = arith.constant 0 : i32
    %dma_wait3A_61 = tpu.memref_slice %arg5[%dma_wait3A_59, %dma_wait3A_60] : memref<4x128xi32, #tpu.memory_space<vmem>> -> memref<1x128xi32, #tpu.memory_space<vmem>>
    %dma_wait3A_62 = tpu.memref_squeeze %dma_wait3A_61 : memref<1x128xi32, #tpu.memory_space<vmem>> -> memref<128xi32, #tpu.memory_space<vmem>>
    %dma_wait3A_63 = arith.constant 0 : i32
    %dma_wait3A_64 = arith.constant 0 : i32
    %dma_wait3A_65 = tpu.memref_slice %arg3[%dma_wait3A_63, %dma_wait3A_64] : memref<1000000x128xf32, #tpu.memory_space<hbm>> -> memref<1000000x128xf32, #tpu.memory_space<hbm>>
    tpu.wait_indirect_dma semaphore(%arg8 : memref<!tpu.dma_semaphore, #tpu.memory_space<semaphore_mem>>) src(%dma_wait3A_65 : memref<1000000x128xf32, #tpu.memory_space<hbm>>) dst(%arg6 : memref<128x128xf32, #tpu.memory_space<vmem>>)
    "tpu.region"() ({
      %run_scoped3A = tpu.sem_alloc : memref<!tpu.dma_semaphore, #tpu.memory_space<semaphore_mem>>
      %dma_start3A_73 = arith.constant 0 : i32
      %dma_start3A_74 = tpu.memref_slice %arg4[%add3A_14, %dma_start3A_73] : memref<16384x128xf32, #tpu.memory_space<hbm>> -> memref<128x128xf32, #tpu.memory_space<hbm>>
      %dma_start3A_75 = arith.constant 0 : i32
      %dma_start3A_76 = tpu.memref_slice %arg4[%add3A_14, %dma_start3A_75] : memref<16384x128xf32, #tpu.memory_space<hbm>> -> memref<128x128xf32, #tpu.memory_space<hbm>>
      tpu.enqueue_dma source(%arg6 : memref<128x128xf32, #tpu.memory_space<vmem>>) target(%dma_start3A_76 : memref<128x128xf32, #tpu.memory_space<hbm>>) target_semaphore(%run_scoped3A : memref<!tpu.dma_semaphore, #tpu.memory_space<semaphore_mem>>)
      %dma_wait3A_77 = arith.constant 0 : i32
      %dma_wait3A_78 = tpu.memref_slice %arg4[%add3A_14, %dma_wait3A_77] : memref<16384x128xf32, #tpu.memory_space<hbm>> -> memref<128x128xf32, #tpu.memory_space<hbm>>
      %dma_wait3A_79 = arith.constant 0 : i32
      %dma_wait3A_80 = tpu.memref_slice %arg4[%add3A_14, %dma_wait3A_79] : memref<16384x128xf32, #tpu.memory_space<hbm>> -> memref<128x128xf32, #tpu.memory_space<hbm>>
      tpu.wait_dma2 semaphore(%run_scoped3A : memref<!tpu.dma_semaphore, #tpu.memory_space<semaphore_mem>>) src(%arg6 : memref<128x128xf32, #tpu.memory_space<vmem>>) dst(%dma_wait3A_80 : memref<128x128xf32, #tpu.memory_space<hbm>>)
      tpu.yield
    }) : () -> ()
    %dma_wait3A_66 = arith.constant 3 : i32
    %dma_wait3A_67 = arith.constant 0 : i32
    %dma_wait3A_68 = tpu.memref_slice %arg5[%dma_wait3A_66, %dma_wait3A_67] : memref<4x128xi32, #tpu.memory_space<vmem>> -> memref<1x128xi32, #tpu.memory_space<vmem>>
    %dma_wait3A_69 = tpu.memref_squeeze %dma_wait3A_68 : memref<1x128xi32, #tpu.memory_space<vmem>> -> memref<128xi32, #tpu.memory_space<vmem>>
    %dma_wait3A_70 = arith.constant 0 : i32
    %dma_wait3A_71 = arith.constant 0 : i32
    %dma_wait3A_72 = tpu.memref_slice %arg3[%dma_wait3A_70, %dma_wait3A_71] : memref<1000000x128xf32, #tpu.memory_space<hbm>> -> memref<1000000x128xf32, #tpu.memory_space<hbm>>
    tpu.wait_indirect_dma semaphore(%arg9 : memref<!tpu.dma_semaphore, #tpu.memory_space<semaphore_mem>>) src(%dma_wait3A_72 : memref<1000000x128xf32, #tpu.memory_space<hbm>>) dst(%arg7 : memref<128x128xf32, #tpu.memory_space<vmem>>)
    "tpu.region"() ({
      %run_scoped3A = tpu.sem_alloc : memref<!tpu.dma_semaphore, #tpu.memory_space<semaphore_mem>>
      %dma_start3A_73 = arith.constant 0 : i32
      %dma_start3A_74 = tpu.memref_slice %arg4[%add3A_18, %dma_start3A_73] : memref<16384x128xf32, #tpu.memory_space<hbm>> -> memref<128x128xf32, #tpu.memory_space<hbm>>
      %dma_start3A_75 = arith.constant 0 : i32
      %dma_start3A_76 = tpu.memref_slice %arg4[%add3A_18, %dma_start3A_75] : memref<16384x128xf32, #tpu.memory_space<hbm>> -> memref<128x128xf32, #tpu.memory_space<hbm>>
      tpu.enqueue_dma source(%arg7 : memref<128x128xf32, #tpu.memory_space<vmem>>) target(%dma_start3A_76 : memref<128x128xf32, #tpu.memory_space<hbm>>) target_semaphore(%run_scoped3A : memref<!tpu.dma_semaphore, #tpu.memory_space<semaphore_mem>>)
      %dma_wait3A_77 = arith.constant 0 : i32
      %dma_wait3A_78 = tpu.memref_slice %arg4[%add3A_18, %dma_wait3A_77] : memref<16384x128xf32, #tpu.memory_space<hbm>> -> memref<128x128xf32, #tpu.memory_space<hbm>>
      %dma_wait3A_79 = arith.constant 0 : i32
      %dma_wait3A_80 = tpu.memref_slice %arg4[%add3A_18, %dma_wait3A_79] : memref<16384x128xf32, #tpu.memory_space<hbm>> -> memref<128x128xf32, #tpu.memory_space<hbm>>
      tpu.wait_dma2 semaphore(%run_scoped3A : memref<!tpu.dma_semaphore, #tpu.memory_space<semaphore_mem>>) src(%arg7 : memref<128x128xf32, #tpu.memory_space<vmem>>) dst(%dma_wait3A_80 : memref<128x128xf32, #tpu.memory_space<hbm>>)
      tpu.yield
    }) : () -> ()
    return
  }
}

module attributes {stable_mosaic.version = 14 : i64} {
  func.func @body(%arg0: i32, %arg1: memref<4096x128xf32, #tpu.memory_space<vmem>>, %arg2: memref<4096x128xf32, #tpu.memory_space<vmem>>, %arg3: memref<4096xf32, #tpu.memory_space<vmem>>) attributes {dimension_semantics = [#tpu.dimension_semantics<arbitrary>], iteration_bounds = array<i64: 2>, scalar_prefetch = 0 : i64, scratch_operands = 0 : i64, tpu.core_type = #tpu.core_type<tc>, window_params = [{transform_indices = @transform_0, window_bounds = array<i64: 4096, 128>}, {transform_indices = @transform_1, window_bounds = array<i64: 4096, 128>}, {transform_indices = @transform_2, window_bounds = array<i64: 4096>}]} {
    %get3A = arith.constant 0 : index
    %get3A_0 = arith.constant 0 : index
    %get3A_1 = vector.load %arg1[%get3A, %get3A_0] : memref<4096x128xf32, #tpu.memory_space<vmem>>, vector<4096x128xf32>
    %get3A_2 = arith.constant 0 : index
    %get3A_3 = arith.constant 0 : index
    %get3A_4 = vector.load %arg2[%get3A_2, %get3A_3] : memref<4096x128xf32, #tpu.memory_space<vmem>>, vector<4096x128xf32>
    %slice3A = vector.extract_strided_slice %get3A_1 {offsets = [0, 0], sizes = [4096, 64], strides = [1, 1]} : vector<4096x128xf32> to vector<4096x64xf32>
    %slice3A_5 = vector.extract_strided_slice %get3A_4 {offsets = [0, 0], sizes = [4096, 64], strides = [1, 1]} : vector<4096x128xf32> to vector<4096x64xf32>
    %sub3A = arith.subf %slice3A, %slice3A_5 : vector<4096x64xf32>
    %exp3A = math.exp %sub3A : vector<4096x64xf32>
    %slice3A_6 = vector.extract_strided_slice %get3A_1 {offsets = [0, 64], sizes = [4096, 64], strides = [1, 1]} : vector<4096x128xf32> to vector<4096x64xf32>
    %exp3A_7 = math.exp %slice3A_6 : vector<4096x64xf32>
    %add3A = arith.constant 1.000000e+00 : f32
    %add3A_8 = vector.broadcast %add3A : f32 to vector<4096x64xf32>
    %add3A_9 = arith.addf %add3A_8, %exp3A_7 : vector<4096x64xf32>
    %slice3A_10 = vector.extract_strided_slice %get3A_4 {offsets = [0, 64], sizes = [4096, 64], strides = [1, 1]} : vector<4096x128xf32> to vector<4096x64xf32>
    %exp3A_11 = math.exp %slice3A_10 : vector<4096x64xf32>
    %add3A_12 = arith.constant 1.000000e+00 : f32
    %add3A_13 = vector.broadcast %add3A_12 : f32 to vector<4096x64xf32>
    %add3A_14 = arith.addf %add3A_13, %exp3A_11 : vector<4096x64xf32>
    %mul3A = arith.mulf %exp3A, %add3A_9 : vector<4096x64xf32>
    %mul3A_15 = arith.mulf %mul3A, %add3A_14 : vector<4096x64xf32>
    %add3A_16 = arith.addf %mul3A, %add3A_14 : vector<4096x64xf32>
    %add3A_17 = arith.constant 1.000000e+00 : f32
    %add3A_18 = vector.broadcast %add3A_17 : f32 to vector<4096x64xf32>
    %add3A_19 = arith.addf %add3A_18, %exp3A : vector<4096x64xf32>
    %mul3A_20 = arith.mulf %add3A_16, %add3A_19 : vector<4096x64xf32>
    %div3A = arith.divf %mul3A_15, %mul3A_20 : vector<4096x64xf32>
    %mul3A_21 = arith.constant 0.315236747 : f32
    %mul3A_22 = vector.broadcast %mul3A_21 : f32 to vector<4096x64xf32>
    %mul3A_23 = arith.mulf %div3A, %mul3A_22 : vector<4096x64xf32>
    %log1p3A = math.log1p %mul3A_23 : vector<4096x64xf32>
    %add3A_24 = arith.constant 9.99999999E-24 : f32
    %add3A_25 = vector.broadcast %add3A_24 : f32 to vector<4096x64xf32>
    %add3A_26 = arith.addf %log1p3A, %add3A_25 : vector<4096x64xf32>
    %mul3A_27 = arith.constant 0.315236747 : f32
    %mul3A_28 = vector.broadcast %mul3A_27 : f32 to vector<4096x64xf32>
    %mul3A_29 = arith.mulf %add3A_9, %mul3A_28 : vector<4096x64xf32>
    %log1p3A_30 = math.log1p %mul3A_29 : vector<4096x64xf32>
    %add3A_31 = arith.constant 9.99999999E-24 : f32
    %add3A_32 = vector.broadcast %add3A_31 : f32 to vector<4096x64xf32>
    %add3A_33 = arith.addf %log1p3A_30, %add3A_32 : vector<4096x64xf32>
    %div3A_34 = arith.divf %add3A_26, %add3A_33 : vector<4096x64xf32>
    %log3A = math.log %div3A_34 : vector<4096x64xf32>
    %reduce_sum3A = arith.constant dense<0.000000e+00> : vector<4096xf32>
    %reduce_sum3A_35 = vector.multi_reduction <add>, %log3A, %reduce_sum3A [1] : vector<4096x64xf32> to vector<4096xf32>
    %exp3A_36 = math.exp %reduce_sum3A_35 : vector<4096xf32>
    %jit3A = arith.constant 0.000000e+00 : f32
    %jit3A_37 = arith.constant 1.000000e+00 : f32
    %max3A = vector.broadcast %jit3A : f32 to vector<4096xf32>
    %max3A_38 = arith.maximumf %max3A, %exp3A_36 : vector<4096xf32>
    %min3A = vector.broadcast %jit3A_37 : f32 to vector<4096xf32>
    %min3A_39 = arith.minimumf %min3A, %max3A_38 : vector<4096xf32>
    %swap3A = arith.constant 0 : index
    %swap3A_40 = vector.load %arg3[%swap3A] : memref<4096xf32, #tpu.memory_space<vmem>>, vector<4096xf32>
    tpu.vector_store %arg3[%swap3A], %min3A_39 {strides = array<i32>} : memref<4096xf32, #tpu.memory_space<vmem>>, vector<4096xf32>,
    return
  }
  func.func @transform_0(%arg0: i32) -> (i32, i32) {
    %c0_i32 = arith.constant 0 : i32
    %c0_i32_0 = arith.constant 0 : i32
    return %arg0, %c0_i32 : i32, i32
  }
  func.func @transform_1(%arg0: i32) -> (i32, i32) {
    %add3A = arith.constant 2 : i32
    %add3A_0 = arith.addi %arg0, %add3A : i32
    %c0_i32 = arith.constant 0 : i32
    %c0_i32_1 = arith.constant 0 : i32
    return %add3A_0, %c0_i32 : i32, i32
  }
  func.func @transform_2(%arg0: i32) -> i32 {
    %c0_i32 = arith.constant 0 : i32
    return %arg0 : i32
  }
}

</mosaic_0001>

<sc_bundles>
// kernel: kernel.6.cloned.1.call-start
scs
__scs_entry_jumppad:
0x0: {  	(pc) =	sbr.rel $0x88, $3  }
0x1: {  	(tag) =	ssettag $0x0;
	lr =	simm.s32 $0x1  }
0x2: {  	[smem:$0x3F9F] =	sst lr;
	_ =	strace $0xD0000000  }
0x3: {  	_ = 	snop  }
0x4: {  	_ = 	snop  }
0x5: {  	_ = 	snop  }
0x6: {  	_ = 	snop  }
0x7: {  	_ = 	snop  }
__scs_overlays_trampoline_lowered:
0x8: {  	[smem:$0x3FAE] =	sst s0  }
0x9: {  	[smem:$0x3FAF] =	sst s1  }
0xa: {  	[smem:$0x3FB0] =	sst s2  }
0xb: {  	[smem:$0x3FB1] =	sst s3  }
0xc: {  	[smem:$0x3FB2] =	sst s4  }
0xd: {  	[smem:$0x3FB3] =	sst s5  }
0xe: {  	[smem:$0x3FB4] =	sst s6  }
0xf: {  	[smem:$0x3FB5] =	sst s7  }
0x10: {  	[smem:$0x3FB6] =	sst s8  }
0x11: {  	[smem:$0x3FB7] =	sst s9;
	s0 =	simm.s32 @!p0 $0x0  }
0x12: {  	s1 =	sld [smem:$0x3F9D];
	s0 =	simm.s32 @p0 $0x1  }
0x13: {  	[smem:$0x3FB8] =	sst s0;
	s0 =	simm.s32 @!p1 $0x0  }
0x14: {  	s2 =	sld [smem:$0x3F9C];
	s0 =	simm.s32 @p1 $0x1  }
0x15: {  	[smem:$0x3FB9] =	sst s0;
	s0 =	simm.s32 @!p2 $0x0  }
0x16: {  	s3 =	sld [smem:$0x3FDB];
	s0 =	simm.s32 @p2 $0x1  }
0x17: {  	s4 =	simm.s32 $0x1BF5;
	[smem:$0x3FBB] =	sst s0  }
0x18: {  	s0 =	sld [smem:$0x3F9E];
	_ =	swait.ge [sflag:s4], $0x0  }
0x19: {  	s7 =	sld [smem:$0x3F9F]  }
0x1a: {  	s8 =	sadd.s32 $0xFFFFE003, lr  }
0x1b: {  	s9 =	sadd.s32 $0xFFFFFEF7, lr;
	s5 =	simm.s32 $0xFFFFFFFF;
	p2 =	slt.u32 s8, $0xFFFFF086  }
0x1c: {  	p1 =	slt.u32 s9, $0xF7A;
	s5 =	simm.s32 @!p2 $0x0  }
0x1d: {  	s5 =	simm.s32 @p1 $0x1;
	p0 =	seq.s32 s7, s2  }
0x1e: {  	s7 =	smul.u32 @!p0 $0xF7A, s2;
	p2 =	seq.s32 @!p0 s5, $0x0  }
0x1f: {  	s9 =	smul.u32 $0xF7A, s1;
	s8 =	simm.s32 @!p0 $0x1BF5;
	p2 =	por !p2, p0  }
0x20: {  	[sflag:s8] =	ssyncset.s32 @!p0 $0xFFFFF086;
	s6 =	sadd.s32 @!p0 s3, s7;
	s7 =	simm.s32 @!p0 $0x108  }
0x21: {  	s3 =	sadd.s32 s3, s9;
	s6 =	sadd.s32 @!p0 $0x88, s6;
	s7 =	simm.s32 @p2 $0x1082  }
0x22: {  	[simem:s7], [sflag:s8] =	dma.local @!p0 [hbm:s6], $0xF7A  }
0x23: {  	s9 =	sor.u32 $0xD0000000, s2;
	s6 =	simm.s32 $0x108;
	_ =	swait.ge @!p0 [sflag:s8], $0x0  }
0x24: {  	s3 =	sadd.s32 $0x88, s3;
	s6 =	simm.s32 @!p1 $0x1082;
	[sflag:s4] =	ssyncset.s32 $0xFFFFF086  }
0x25: {  	[simem:s6], [sflag:s4] =	dma.local [hbm:s3], $0xF7A  }
0x26: {  	[smem:$0x3F9F] =	sst s1;
	(tag) =	ssettag s2;
	_ =	strace s9  }
0x27: {  	s1 =	sld [smem:$0x3FAF]  }
0x28: {  	s2 =	sld [smem:$0x3FB0]  }
0x29: {  	s4 =	sld [smem:$0x3FB2]  }
0x2a: {  	p0 =	seq.s32 s5, $0x0;
	s5 =	sld [smem:$0x3FB3]  }
0x2b: {  	s6 =	sld [smem:$0x3FB4]  }
0x2c: {  	s7 =	sld [smem:$0x3FB5]  }
0x2d: {  	s3 =	simm.s32 $0x108;
	s8 =	sld [smem:$0x3FB6]  }
0x2e: {  	s3 =	simm.s32 @!p0 $0x1082;
	s9 =	sld [smem:$0x3FB7]  }
0x2f: {  	lr =	sadd.s32 s0, s3;
	s0 =	sld [smem:$0x3FAE]  }
0x30: {  	s3 =	sld [smem:$0x3FB1]  }
0x31: {  	[smem:$0x3FBA] =	sst s10  }
0x32: {  	s10 =	sld [smem:$0x3FB8];
	_ =	sdelay $0x3  }
0x33: {  	p0 =	seq.s32 s10, $0x1;
	s10 =	sld [smem:$0x3FBA];
	_ =	sdelay $0x3  }
0x34: {  	[smem:$0x3FBA] =	sst s10  }
0x35: {  	s10 =	sld [smem:$0x3FB9];
	_ =	sdelay $0x3  }
0x36: {  	p1 =	seq.s32 s10, $0x1;
	s10 =	sld [smem:$0x3FBA];
	_ =	sdelay $0x3  }
0x37: {  	[smem:$0x3FBA] =	sst s10  }
0x38: {  	s10 =	sld [smem:$0x3FBB]  }
0x39: {  	_ = 	snop;
	(pc) =	sbr.ind lr, $3  }
0x3a: {  	_ = 	snop  }
0x3b: {  	_ = 	snop  }
0x3c: {  	p2 =	seq.s32 s10, $0x1;
	s10 =	sld [smem:$0x3FBA]  }
0x3d: {  	_ =	shalt  }
0x3e: {  	_ =	shalt  }
0x3f: {  	_ =	shalt  }
0x40: {  	_ =	shalt  }
0x41: {  	_ =	shalt  }
0x42: {  	_ =	shalt  }
0x43: {  	_ =	shalt  }
0x44: {  	_ =	shalt  }
0x45: {  	_ =	shalt  }
0x46: {  	_ =	shalt  }
0x47: {  	_ =	shalt  }
0x48: {  	_ =	shalt  }
0x49: {  	_ =	shalt  }
0x4a: {  	_ =	shalt  }
0x4b: {  	_ =	shalt  }
0x4c: {  	_ =	shalt  }
0x4d: {  	_ =	shalt  }
0x4e: {  	_ =	shalt  }
0x4f: {  	_ =	shalt  }
0x50: {  	_ =	shalt  }
0x51: {  	_ =	shalt  }
0x52: {  	_ =	shalt  }
0x53: {  	_ =	shalt  }
0x54: {  	_ =	shalt  }
0x55: {  	_ =	shalt  }
0x56: {  	_ =	shalt  }
0x57: {  	_ =	shalt  }
0x58: {  	_ =	shalt  }
0x59: {  	_ =	shalt  }
0x5a: {  	_ =	shalt  }
0x5b: {  	_ =	shalt  }
0x5c: {  	_ =	shalt  }
0x5d: {  	_ =	shalt  }
0x5e: {  	_ =	shalt  }
0x5f: {  	_ =	shalt  }
0x60: {  	_ =	shalt  }
0x61: {  	_ =	shalt  }
0x62: {  	_ =	shalt  }
0x63: {  	_ =	shalt  }
0x64: {  	_ =	shalt  }
0x65: {  	_ =	shalt  }
0x66: {  	_ =	shalt  }
0x67: {  	_ =	shalt  }
0x68: {  	_ =	shalt  }
0x69: {  	_ =	shalt  }
0x6a: {  	_ =	shalt  }
0x6b: {  	_ =	shalt  }
0x6c: {  	_ =	shalt  }
0x6d: {  	_ =	shalt  }
0x6e: {  	_ =	shalt  }
0x6f: {  	_ =	shalt  }
0x70: {  	_ =	shalt  }
0x71: {  	_ =	shalt  }
0x72: {  	_ =	shalt  }
0x73: {  	_ =	shalt  }
0x74: {  	_ =	shalt  }
0x75: {  	_ =	shalt  }
0x76: {  	_ =	shalt  }
0x77: {  	_ =	shalt  }
0x78: {  	_ =	shalt  }
0x79: {  	_ =	shalt  }
0x7a: {  	_ =	shalt  }
0x7b: {  	_ =	shalt  }
0x7c: {  	_ =	shalt  }
0x7d: {  	_ =	shalt  }
0x7e: {  	_ =	shalt  }
0x7f: {  	_ =	shalt  }
0x80: {  	_ =	shalt  }
0x81: {  	_ =	shalt  }
0x82: {  	_ =	shalt  }
0x83: {  	_ =	shalt  }
0x84: {  	_ =	shalt  }
0x85: {  	_ =	shalt  }
0x86: {  	_ =	shalt  }
0x87: {  	_ =	shalt  }
.Lfunc_end0:
.L_simem_size_0:
called_computation_lowered:
.L_overlay_start_0:
0x88: {  	s2 =	sld [smem:$0x3FD9]  }
0x89: {  	s3 =	sld [smem:$0x3FFE];
	_ =	sdelay $0x1  }
0x8a: {  	s1 =	srdreg.scid  }
0x8b: {  	s0 =	sand.u32 $0x1, s1  }
0x8c: {  	s17 =	sshll.u32 s0, $0xA;
	s2 =	sadd.s32 s3, s2  }
0x8d: {  	s2 =	sadd.s32 s2, s17  }
0x8e: {  	[smem:$0x3FC6] =	sst s2  }
0x8f: {  	_ = 	snop  }
0x90: {  	s18 =	sld [smem:$0x3FC9]  }
0x91: {  	s4 =	sld [smem:$0x3FC8];
	(tm) =	ssettm $0x1  }
0x92: {  	s19 =	sld [smem:$0x3FFB];
	_ =	sdelay $0x3  }
0x93: {  	_ =	strace s19  }
0x94: {  	s2 =	sld [smem:$0x3FFC];
	_ =	sdelay $0x3  }
0x95: {  	_ =	strace s2  }
0x96: {  	s2 =	sld [smem:$0x3FFD];
	_ =	sdelay $0x3  }
0x97: {  	_ =	strace s2  }
0x98: {  	_ =	strace $0x8FFFFFFF  }
0x99: {  	s20 =	sld [smem:$0x3FDB];
	_ =	sdelay $0x1  }
0x9a: {  	s5 =	simm.s32 $_scs_section_size  }
0x9b: {  	s6 =	simm.s32 $_size__tile_overlayer_lowered;
	s7 =	simm.s32 $_tile_overlayer_lowered  }
0x9c: {  	s8 =	simm.s32 $0x1BFF;
	s21 =	sshll.u32 s7, $0x1;
	s5 =	sadd.s32 s5, s20  }
0x9d: {  	s22 =	simm.s32 $0x0;
	s6 =	sshll.u32 s6, $0x1;
	s7 =	sadd.s32 s21, s5  }
0x9e: {  	[timem:s22], [sflag:s8] =	dma.local [hbm:s7], s6  }
0x9f: {  	_ =	swait.ge [sflag:s8], s6  }
0xa0: {  	s6 =	ssub.s32 $0x0, s6;
	[sflag:s8] =	ssyncset.done $0x0  }
0xa1: {  	[sflag:s8] =	ssyncadd.s32 s6;
	_ =	sdelay $0x1  }
0xa2: {  	s23 =	simm.s32 $0x1B8B  }
0xa3: {  	_ =	swait.ge [sflag:s23], $0x1  }
0xa4: {  	[sflag:s23] =	ssyncset.done $0x0  }
0xa5: {  	[sflag:s23] =	ssyncadd.s32 $0xFFFFFFFF  }
0xa6: {  	s6 =	sld [smem:$0x0]  }
0xa7: {  	s7 =	sand.u32 $0xFFFFFFFE, s1  }
0xa8: {  	p0 =	sne.s32 s1, s7  }
0xa9: {  	s7 =	sshll.u32 @p0 s7, $0xE  }
0xaa: {  	s7 =	sadd.s32 @p0 $0x11B8D, s7;
	s8 =	sshll.u32 @p0 s6, $0x11  }
0xab: {  	s7 =	sor.u32 @p0 s8, s7  }
0xac: {  	[sflag:s7] =	ssyncadd.remote.s32 @p0 $0x1;
	_ =	sdelay $0x1  }
0xad: {  	s7 =	simm.s32 @p0 $0x1B8D  }
0xae: {  	_ =	swait.eq @p0 [sflag:s7], $0x1  }
0xaf: {  	[sflag:s7] =	ssyncadd.s32 @p0 $0xFFFFFFFF  }
0xb0: {  	s8 =	sshll.u32 @!p0 s1, $0xE  }
0xb1: {  	s8 =	sor.u32 @!p0 $0x4000, s8;
	s7 =	simm.s32 @!p0 $0x1B8D  }
0xb2: {  	s6 =	sshll.u32 @!p0 s6, $0x11;
	s8 =	sadd.s32 @!p0 $0x11B8D, s8;
	_ =	swait.eq @!p0 [sflag:s7], $0x1  }
0xb3: {  	s6 =	sor.u32 @!p0 s6, s8;
	[sflag:s7] =	ssyncadd.s32 @!p0 $0xFFFFFFFF  }
0xb4: {  	s25 =	simm.s32 $0x1B8E;
	s24 =	sld [smem:$0x3FFE];
	[sflag:s6] =	ssyncadd.remote.s32 @!p0 $0x1  }
0xb5: {  	s26 =	simm.s32 $execute0_lowered;
	[smem:$0x3FD2] =	sst s25  }
0xb6: {  	s7 =	sshll.u32 s26, $0x1;
	_ =	strace $0x80000049;
	[dreg:$0x1] =	wrdreg $0xFFFFFFFF  }
0xb7: {  	s28 =	simm.s32 $_size_execute0_lowered;
	s5 =	sadd.s32 s5, s7;
	[dreg:$0x0] =	wrdreg $0x0  }
0xb8: {  	s7 =	sshll.u32 s28, $0x1;
	[dreg:$0x2] =	wrdreg s5  }
0xb9: {  	[dreg:$0x3] =	wrdreg s7  }
0xba: {  	[dreg:$0x4] =	wrdreg $0xC0  }
0xbb: {  	_ =	task [dreg:s22], $0x5FFFF  }
0xbc: {  	[dreg:$0x1] =	wrdreg $0xFFFFFFFF  }
0xbd: {  	[dreg:$0x0] =	wrdreg $0x60  }
0xbe: {  	[dreg:$0x2] =	wrdreg s18  }
0xbf: {  	[dreg:$0x3] =	wrdreg s4  }
0xc0: {  	[dreg:$0x4] =	wrdreg s24  }
0xc1: {  	[dreg:$0x5] =	wrdreg $0x9  }
0xc2: {  	_ =	task.clear_ibuf [dreg:s22], $0x6FFFF;
	_ =	strace $0x90000049  }
0xc3: {  	s29 =	simm.s32 $0x9;
	_ =	strace $0x8000004B  }
0xc4: {  	_ =	swait.ge [sflag:s29], $0x1  }
0xc5: {  	[sflag:s29] =	ssyncadd.s32 $0xFFFFFFFF  }
0xc6: {  	_ =	strace $0x9000004B  }
0xc7: {  	_ =	sfence  }
0xc8: {  	s30 =	sld [smem:$0x0];
	_ =	sdelay $0x2  }
0xc9: {  	s31 =	sshll.u32 s1, $0xD;
	s1 =	sshrl.u32 s1, $0x2  }
0xca: {  	s4 =	sand.u32 $0x4000, s31;
	s1 =	sadd.s32 s1, s30  }
0xcb: {  	s0 =	sor.u32 s4, s0;
	s1 =	sshll.u32 s1, $0x11  }
0xcc: {  	s0 =	sor.u32 s1, s0  }
0xcd: {  	s0 =	sadd.s32 $0x8F2B, s0  }
0xce: {  	[sflag:s0] =	ssyncadd.remote.s32 $0x1  }
0xcf: {  	_ =	sfence.sel $0xFFFF  }
0xd0: {  	[dreg:$0x0] =	wrdreg $0xFFFFFFFF;
	(pc) =	sbr.abs _section_cstart, $3  }
0xd1: {  	[dreg:$0x1] =	wrdreg $0xFFFFFFFF  }
0xd2: {  	_ =	task.clear_ibuf [dreg:s22], $0x2FFFF;
	_ =	strace $0x9FFFFFFF  }
0xd3: {  	(tm) =	ssettm $0x7FFFFFFF  }
tec
execute0_lowered:
.L_overlay_start_1:
0x0: {  	(tag) =	ssettag $0x1  }
0x1: {  	s4 =	rddreg [dreg:$0x0]  }
0x2: {  	s1 =	rddreg [dreg:$0x1]  }
0x3: {  	s11 =	rddreg [dreg:$0x2];
	s2 =	srdreg.scid  }
0x4: {  	s0 =	rddreg [dreg:$0x3];
	s16 =	sand.u32 $0x1, s2  }
0x5: {  	s3 =	simm.s32 $0x0;
	s2 =	stileid.u32;
	s5 =	sshll.u32 s16, $0x6  }
0x6: {  	[smem:$0x7FF] =	sst s3;
	s6 =	sshll.u32 s2, $0x7;
	s4 =	sadd.s32 s4, s5  }
0x7: {  	_ =	strace $0x8000004A;
	s5 =	sadd.s32 s6, s4;
	s4 =	simm.s32 $0x3  }
0x8: {  	[tilespmem:s3], [sflag:$0x3] =	stream.linear.gather [hbm4b:s5+s3], $0x200, $0x38;
	[tilespmem:$0x8200] =	vst v63  }
0x9: {  	_ =	swait.ge [sflag:s4], $0x200  }
0xa: {  	s7 =	simm.s32 $0x200;
	s8 =	simm.s32 $0x100;
	[sflag:s4] =	ssyncset.done $0x0  }
0xb: {  	s9 =	simm.s32 $0x4200;
	s6 =	simm.s32 $0x80;
	[sflag:s4] =	ssyncadd.s32 $0xFFFFFE00  }
0xc: {  	[tilespmem:s7], [sflag:$0x1] =	stream.indirect.gather [hbm4b:s1+s6], $0x80, s3, s6, $0xb8;
	[tilespmem:$0x8200] =	vst v63  }
0xd: {  	s10 =	simm.s32 $0x1;
	s12 =	sshll.u32 s2, $0xD;
	s13 =	sshll.u32 s16, $0xC  }
0xe: {  	[tilespmem:s9], [sflag:$0x2] =	stream.indirect.gather [hbm4b:s1+s6], $0x80, s8, s6, $0xb8;
	[tilespmem:$0x8200] =	vst v63  }
0xf: {  	s12 =	sor.u32 s13, s12;
	_ =	swait.ge [sflag:s10], $0x4000  }
0x10: {  	s17 =	sadd.s32 s12, s11;
	[sflag:s10] =	ssyncset.done $0x0  }
0x11: {  	s11 =	sadd.s32 $0x40C00, s17;
	[sflag:s10] =	ssyncadd.s32 $0xFFFFC000  }
0x12: {  	[hbm4b:s11+s3] =	stream.linear.scatter [tilespmem:s7], [sflag:$0x3], $0x4000, $0x38;
	[tilespmem:$0x8200] =	vst v63  }
0x13: {  	_ =	swait.ge [sflag:s4], $0x4000  }
0x14: {  	[sflag:s4] =	ssyncset.done $0x0  }
0x15: {  	s12 =	simm.s32 $0x2;
	[sflag:s4] =	ssyncadd.s32 $0xFFFFC000  }
0x16: {  	[tilespmem:s7], [sflag:$0x1] =	stream.indirect.gather [hbm4b:s1+s6], $0x80, s6, s6, $0xb8;
	[tilespmem:$0x8200] =	vst v63  }
0x17: {  	_ =	swait.ge [sflag:s12], $0x4000  }
0x18: {  	[sflag:s12] =	ssyncset.done $0x0  }
0x19: {  	s13 =	sadd.s32 $0x41400, s17;
	[sflag:s12] =	ssyncadd.s32 $0xFFFFC000  }
0x1a: {  	[hbm4b:s13+s3] =	stream.linear.scatter [tilespmem:s9], [sflag:$0x3], $0x4000, $0x38;
	[tilespmem:$0x8200] =	vst v63  }
0x1b: {  	_ =	swait.ge [sflag:s4], $0x4000  }
0x1c: {  	[sflag:s4] =	ssyncset.done $0x0  }
0x1d: {  	s14 =	simm.s32 $0x180;
	[sflag:s4] =	ssyncadd.s32 $0xFFFFC000  }
0x1e: {  	[tilespmem:s9], [sflag:$0x2] =	stream.indirect.gather [hbm4b:s1+s6], $0x80, s14, s6, $0xb8;
	[tilespmem:$0x8200] =	vst v63  }
0x1f: {  	_ =	swait.ge [sflag:s10], $0x4000  }
0x20: {  	[sflag:s10] =	ssyncset.done $0x0  }
0x21: {  	s16 =	ssub.s32 $0x2, s16;
	s15 =	sadd.s32 $0x60C00, s17;
	[sflag:s10] =	ssyncadd.s32 $0xFFFFC000  }
0x22: {  	[hbm4b:s15+s3] =	stream.linear.scatter [tilespmem:s7], [sflag:$0x3], $0x4000, $0x38;
	[tilespmem:$0x8200] =	vst v63  }
0x23: {  	s18 =	sshrl.u32 s16, $0x1;
	_ =	swait.ge [sflag:s4], $0x4000  }
0x24: {  	s18 =	ssub.s32 s16, s18;
	[sflag:s4] =	ssyncset.done $0x0  }
0x25: {  	s31 =	smax.u32 s18, $0x1;
	[sflag:s4] =	ssyncadd.s32 $0xFFFFC000  }
0x26: {  	p0 =	sne.s32 s31, $0x1;
	_ =	swait.ge [sflag:s12], $0x4000  }
.Ltmp0:
0x27: {  	[sflag:s12] =	ssyncset.done $0x0;
	(pc) =	sbr.rel @!p0 .LBB2_2-.Ltmp0, $4  }
0x28: {  	s16 =	sadd.s32 $0x61400, s17;
	[sflag:s12] =	ssyncadd.s32 $0xFFFFC000  }
0x29: {  	[hbm4b:s16+s3] =	stream.linear.scatter [tilespmem:s9], [sflag:$0x3], $0x4000, $0x38;
	[tilespmem:$0x8200] =	vst v63  }
0x2a: {  	_ =	swait.ge [sflag:s4], $0x4000  }
0x2b: {  	s17 =	sadd.s32 $0xFFFFFFFF, s31;
	[sflag:s4] =	ssyncset.done $0x0  }
.LBB2_1:
0x2c: {  	p0 =	sne.s32 s17, $0x1;
	s17 =	sadd.s32 $0xFFFFFFFF, s17;
	[sflag:s4] =	ssyncadd.s32 $0xFFFFC000  }
0x2d: {  	[tilespmem:s3], [sflag:$0x3] =	stream.linear.gather [hbm4b:s5+s3], $0x200, $0x38;
	[tilespmem:$0x8200] =	vst v63  }
0x2e: {  	_ =	swait.ge [sflag:s4], $0x200  }
0x2f: {  	[sflag:s4] =	ssyncset.done $0x0  }
0x30: {  	[sflag:s4] =	ssyncadd.s32 $0xFFFFFE00  }
0x31: {  	[tilespmem:s7], [sflag:$0x1] =	stream.indirect.gather [hbm4b:s1+s6], $0x80, s3, s6, $0xb8;
	[tilespmem:$0x8200] =	vst v63  }
0x32: {  	_ = 	snop  }
0x33: {  	[tilespmem:s9], [sflag:$0x2] =	stream.indirect.gather [hbm4b:s1+s6], $0x80, s8, s6, $0xb8;
	[tilespmem:$0x8200] =	vst v63  }
0x34: {  	_ =	swait.ge [sflag:s10], $0x4000  }
0x35: {  	[sflag:s10] =	ssyncset.done $0x0  }
0x36: {  	[sflag:s10] =	ssyncadd.s32 $0xFFFFC000  }
0x37: {  	[hbm4b:s11+s3] =	stream.linear.scatter [tilespmem:s7], [sflag:$0x3], $0x4000, $0x38;
	[tilespmem:$0x8200] =	vst v63  }
0x38: {  	_ =	swait.ge [sflag:s4], $0x4000  }
0x39: {  	[sflag:s4] =	ssyncset.done $0x0  }
0x3a: {  	[sflag:s4] =	ssyncadd.s32 $0xFFFFC000  }
0x3b: {  	[tilespmem:s7], [sflag:$0x1] =	stream.indirect.gather [hbm4b:s1+s6], $0x80, s6, s6, $0xb8;
	[tilespmem:$0x8200] =	vst v63  }
0x3c: {  	_ =	swait.ge [sflag:s12], $0x4000  }
0x3d: {  	[sflag:s12] =	ssyncset.done $0x0  }
0x3e: {  	[sflag:s12] =	ssyncadd.s32 $0xFFFFC000  }
0x3f: {  	[hbm4b:s13+s3] =	stream.linear.scatter [tilespmem:s9], [sflag:$0x3], $0x4000, $0x38;
	[tilespmem:$0x8200] =	vst v63  }
0x40: {  	_ =	swait.ge [sflag:s4], $0x4000  }
0x41: {  	[sflag:s4] =	ssyncset.done $0x0  }
0x42: {  	[sflag:s4] =	ssyncadd.s32 $0xFFFFC000  }
0x43: {  	[tilespmem:s9], [sflag:$0x2] =	stream.indirect.gather [hbm4b:s1+s6], $0x80, s14, s6, $0xb8;
	[tilespmem:$0x8200] =	vst v63  }
0x44: {  	_ =	swait.ge [sflag:s10], $0x4000  }
0x45: {  	[sflag:s10] =	ssyncset.done $0x0  }
0x46: {  	[sflag:s10] =	ssyncadd.s32 $0xFFFFC000  }
0x47: {  	[hbm4b:s15+s3] =	stream.linear.scatter [tilespmem:s7], [sflag:$0x3], $0x4000, $0x38;
	[tilespmem:$0x8200] =	vst v63  }
0x48: {  	_ =	swait.ge [sflag:s4], $0x4000  }
0x49: {  	[sflag:s4] =	ssyncset.done $0x0  }
0x4a: {  	[sflag:s4] =	ssyncadd.s32 $0xFFFFC000  }
0x4b: {  	_ =	swait.ge [sflag:s12], $0x4000  }
.Ltmp1:
0x4c: {  	[sflag:s12] =	ssyncset.done $0x0;
	(pc) =	sbr.rel @p0 .LBB2_1-.Ltmp1, $4  }
0x4d: {  	[sflag:s12] =	ssyncadd.s32 $0xFFFFC000  }
0x4e: {  	[hbm4b:s16+s3] =	stream.linear.scatter [tilespmem:s9], [sflag:$0x3], $0x4000, $0x38;
	[tilespmem:$0x8200] =	vst v63  }
0x4f: {  	_ =	swait.ge [sflag:s4], $0x4000  }
0x50: {  	[sflag:s4] =	ssyncset.done $0x0  }
.LBB2_2:
0x51: {  	[sflag:s4] =	ssyncadd.s32 $0xFFFFC000  }
0x52: {  	_ =	sfence.sel $0x180000  }
0x53: {  	[bflag:$0x0] =	sbarrier.arrive $0xFFFF  }
0x54: {  	p0 =	sne.s32 s2, $0x0;
	_ =	strace $0x9000004A  }
0x55: {  	s0 =	sadd.s32 @!p0 $0x100000, s0;
	[bflag:$0x2] =	sbarrier.arrive $0xFFFF  }
0x56: {  	[sflag:s0] =	ssyncadd.tile.s32 @!p0 $0x1;
	_ =	shalt  }
.Lfunc_end2:
_tile_overlayer_lowered:
.L_overlay_start_2:
0x57: {  	(tag) =	ssettag $0x2  }
0x58: {  	s0 =	rddreg [dreg:$0x0];
	s2 =	stileid.u32  }
0x59: {  	s1 =	rddreg [dreg:$0x1];
	p0 =	sne.s32 s2, $0x0  }
0x5a: {  	s3 =	rddreg [dreg:$0x2];
	[bflag:$0x3] =	sbarrier.arrive $0xFFFF;
	s2 =	simm.s32 @!p0 $0x1C03  }
0x5b: {  	[timem:s3], [sflag:s2] =	dma.local @!p0 [hbm:s0], s1  }
0x5c: {  	s0 =	simm.s32 @!p0 $0x3  }
0x5d: {  	_ =	swait.ge @!p0 [sflag:s0], s1  }
0x5e: {  	s1 =	ssub.s32 @!p0 $0x0, s1;
	[sflag:s0] =	ssyncset.done @!p0 $0x0  }
0x5f: {  	[sflag:s0] =	ssyncadd.s32 @!p0 s1  }
0x60: {  	[bflag:$0x3] =	sbarrier.arrive $0xFFFF  }
0x61: {  	_ =	shalt  }

// kernel: kernel.9.cloned.1.call-start
scs
__scs_entry_jumppad:
0x0: {  	(pc) =	sbr.rel $0x88, $3  }
0x1: {  	(tag) =	ssettag $0x0;
	lr =	simm.s32 $0x1  }
0x2: {  	[smem:$0x3F9F] =	sst lr;
	_ =	strace $0xD0000000  }
0x3: {  	_ = 	snop  }
0x4: {  	_ = 	snop  }
0x5: {  	_ = 	snop  }
0x6: {  	_ = 	snop  }
0x7: {  	_ = 	snop  }
__scs_overlays_trampoline_lowered:
0x8: {  	[smem:$0x3FAE] =	sst s0  }
0x9: {  	[smem:$0x3FAF] =	sst s1  }
0xa: {  	[smem:$0x3FB0] =	sst s2  }
0xb: {  	[smem:$0x3FB1] =	sst s3  }
0xc: {  	[smem:$0x3FB2] =	sst s4  }
0xd: {  	[smem:$0x3FB3] =	sst s5  }
0xe: {  	[smem:$0x3FB4] =	sst s6  }
0xf: {  	[smem:$0x3FB5] =	sst s7  }
0x10: {  	[smem:$0x3FB6] =	sst s8  }
0x11: {  	[smem:$0x3FB7] =	sst s9;
	s0 =	simm.s32 @!p0 $0x0  }
0x12: {  	s1 =	sld [smem:$0x3F9D];
	s0 =	simm.s32 @p0 $0x1  }
0x13: {  	[smem:$0x3FB8] =	sst s0;
	s0 =	simm.s32 @!p1 $0x0  }
0x14: {  	s2 =	sld [smem:$0x3F9C];
	s0 =	simm.s32 @p1 $0x1  }
0x15: {  	[smem:$0x3FB9] =	sst s0;
	s0 =	simm.s32 @!p2 $0x0  }
0x16: {  	s3 =	sld [smem:$0x3FDB];
	s0 =	simm.s32 @p2 $0x1  }
0x17: {  	s4 =	simm.s32 $0x1BF5;
	[smem:$0x3FBB] =	sst s0  }
0x18: {  	s0 =	sld [smem:$0x3F9E];
	_ =	swait.ge [sflag:s4], $0x0  }
0x19: {  	s7 =	sld [smem:$0x3F9F]  }
0x1a: {  	s8 =	sadd.s32 $0xFFFFE003, lr  }
0x1b: {  	s9 =	sadd.s32 $0xFFFFFEF7, lr;
	s5 =	simm.s32 $0xFFFFFFFF;
	p2 =	slt.u32 s8, $0xFFFFF086  }
0x1c: {  	p1 =	slt.u32 s9, $0xF7A;
	s5 =	simm.s32 @!p2 $0x0  }
0x1d: {  	s5 =	simm.s32 @p1 $0x1;
	p0 =	seq.s32 s7, s2  }
0x1e: {  	s7 =	smul.u32 @!p0 $0xF7A, s2;
	p2 =	seq.s32 @!p0 s5, $0x0  }
0x1f: {  	s9 =	smul.u32 $0xF7A, s1;
	s8 =	simm.s32 @!p0 $0x1BF5;
	p2 =	por !p2, p0  }
0x20: {  	[sflag:s8] =	ssyncset.s32 @!p0 $0xFFFFF086;
	s6 =	sadd.s32 @!p0 s3, s7;
	s7 =	simm.s32 @!p0 $0x108  }
0x21: {  	s3 =	sadd.s32 s3, s9;
	s6 =	sadd.s32 @!p0 $0x88, s6;
	s7 =	simm.s32 @p2 $0x1082  }
0x22: {  	[simem:s7], [sflag:s8] =	dma.local @!p0 [hbm:s6], $0xF7A  }
0x23: {  	s9 =	sor.u32 $0xD0000000, s2;
	s6 =	simm.s32 $0x108;
	_ =	swait.ge @!p0 [sflag:s8], $0x0  }
0x24: {  	s3 =	sadd.s32 $0x88, s3;
	s6 =	simm.s32 @!p1 $0x1082;
	[sflag:s4] =	ssyncset.s32 $0xFFFFF086  }
0x25: {  	[simem:s6], [sflag:s4] =	dma.local [hbm:s3], $0xF7A  }
0x26: {  	[smem:$0x3F9F] =	sst s1;
	(tag) =	ssettag s2;
	_ =	strace s9  }
0x27: {  	s1 =	sld [smem:$0x3FAF]  }
0x28: {  	s2 =	sld [smem:$0x3FB0]  }
0x29: {  	s4 =	sld [smem:$0x3FB2]  }
0x2a: {  	p0 =	seq.s32 s5, $0x0;
	s5 =	sld [smem:$0x3FB3]  }
0x2b: {  	s6 =	sld [smem:$0x3FB4]  }
0x2c: {  	s7 =	sld [smem:$0x3FB5]  }
0x2d: {  	s3 =	simm.s32 $0x108;
	s8 =	sld [smem:$0x3FB6]  }
0x2e: {  	s3 =	simm.s32 @!p0 $0x1082;
	s9 =	sld [smem:$0x3FB7]  }
0x2f: {  	lr =	sadd.s32 s0, s3;
	s0 =	sld [smem:$0x3FAE]  }
0x30: {  	s3 =	sld [smem:$0x3FB1]  }
0x31: {  	[smem:$0x3FBA] =	sst s10  }
0x32: {  	s10 =	sld [smem:$0x3FB8];
	_ =	sdelay $0x3  }
0x33: {  	p0 =	seq.s32 s10, $0x1;
	s10 =	sld [smem:$0x3FBA];
	_ =	sdelay $0x3  }
0x34: {  	[smem:$0x3FBA] =	sst s10  }
0x35: {  	s10 =	sld [smem:$0x3FB9];
	_ =	sdelay $0x3  }
0x36: {  	p1 =	seq.s32 s10, $0x1;
	s10 =	sld [smem:$0x3FBA];
	_ =	sdelay $0x3  }
0x37: {  	[smem:$0x3FBA] =	sst s10  }
0x38: {  	s10 =	sld [smem:$0x3FBB]  }
0x39: {  	_ = 	snop;
	(pc) =	sbr.ind lr, $3  }
0x3a: {  	_ = 	snop  }
0x3b: {  	_ = 	snop  }
0x3c: {  	p2 =	seq.s32 s10, $0x1;
	s10 =	sld [smem:$0x3FBA]  }
0x3d: {  	_ =	shalt  }
0x3e: {  	_ =	shalt  }
0x3f: {  	_ =	shalt  }
0x40: {  	_ =	shalt  }
0x41: {  	_ =	shalt  }
0x42: {  	_ =	shalt  }
0x43: {  	_ =	shalt  }
0x44: {  	_ =	shalt  }
0x45: {  	_ =	shalt  }
0x46: {  	_ =	shalt  }
0x47: {  	_ =	shalt  }
0x48: {  	_ =	shalt  }
0x49: {  	_ =	shalt  }
0x4a: {  	_ =	shalt  }
0x4b: {  	_ =	shalt  }
0x4c: {  	_ =	shalt  }
0x4d: {  	_ =	shalt  }
0x4e: {  	_ =	shalt  }
0x4f: {  	_ =	shalt  }
0x50: {  	_ =	shalt  }
0x51: {  	_ =	shalt  }
0x52: {  	_ =	shalt  }
0x53: {  	_ =	shalt  }
0x54: {  	_ =	shalt  }
0x55: {  	_ =	shalt  }
0x56: {  	_ =	shalt  }
0x57: {  	_ =	shalt  }
0x58: {  	_ =	shalt  }
0x59: {  	_ =	shalt  }
0x5a: {  	_ =	shalt  }
0x5b: {  	_ =	shalt  }
0x5c: {  	_ =	shalt  }
0x5d: {  	_ =	shalt  }
0x5e: {  	_ =	shalt  }
0x5f: {  	_ =	shalt  }
0x60: {  	_ =	shalt  }
0x61: {  	_ =	shalt  }
0x62: {  	_ =	shalt  }
0x63: {  	_ =	shalt  }
0x64: {  	_ =	shalt  }
0x65: {  	_ =	shalt  }
0x66: {  	_ =	shalt  }
0x67: {  	_ =	shalt  }
0x68: {  	_ =	shalt  }
0x69: {  	_ =	shalt  }
0x6a: {  	_ =	shalt  }
0x6b: {  	_ =	shalt  }
0x6c: {  	_ =	shalt  }
0x6d: {  	_ =	shalt  }
0x6e: {  	_ =	shalt  }
0x6f: {  	_ =	shalt  }
0x70: {  	_ =	shalt  }
0x71: {  	_ =	shalt  }
0x72: {  	_ =	shalt  }
0x73: {  	_ =	shalt  }
0x74: {  	_ =	shalt  }
0x75: {  	_ =	shalt  }
0x76: {  	_ =	shalt  }
0x77: {  	_ =	shalt  }
0x78: {  	_ =	shalt  }
0x79: {  	_ =	shalt  }
0x7a: {  	_ =	shalt  }
0x7b: {  	_ =	shalt  }
0x7c: {  	_ =	shalt  }
0x7d: {  	_ =	shalt  }
0x7e: {  	_ =	shalt  }
0x7f: {  	_ =	shalt  }
0x80: {  	_ =	shalt  }
0x81: {  	_ =	shalt  }
0x82: {  	_ =	shalt  }
0x83: {  	_ =	shalt  }
0x84: {  	_ =	shalt  }
0x85: {  	_ =	shalt  }
0x86: {  	_ =	shalt  }
0x87: {  	_ =	shalt  }
.Lfunc_end0:
.L_simem_size_0:
called_computation.1_lowered:
.L_overlay_start_0:
0x88: {  	s2 =	sld [smem:$0x3FD9]  }
0x89: {  	s3 =	sld [smem:$0x3FFE];
	_ =	sdelay $0x1  }
0x8a: {  	s1 =	srdreg.scid  }
0x8b: {  	s0 =	sand.u32 $0x1, s1  }
0x8c: {  	s17 =	sshll.u32 s0, $0xA;
	s2 =	sadd.s32 s3, s2  }
0x8d: {  	s2 =	sadd.s32 s2, s17  }
0x8e: {  	[smem:$0x3FC6] =	sst s2  }
0x8f: {  	_ = 	snop  }
0x90: {  	s2 =	sld [smem:$0x3FC9]  }
0x91: {  	s18 =	sld [smem:$0x3FC8];
	(tm) =	ssettm $0x1  }
0x92: {  	s4 =	sld [smem:$0x3FFB];
	_ =	sdelay $0x3  }
0x93: {  	_ =	strace s4  }
0x94: {  	s4 =	sld [smem:$0x3FFC];
	_ =	sdelay $0x3  }
0x95: {  	_ =	strace s4  }
0x96: {  	s4 =	sld [smem:$0x3FFD];
	_ =	sdelay $0x3  }
0x97: {  	_ =	strace s4  }
0x98: {  	_ =	strace $0x8FFFFFFF  }
0x99: {  	s19 =	sld [smem:$0x3FDB];
	_ =	sdelay $0x1  }
0x9a: {  	s5 =	simm.s32 $_scs_section_size  }
0x9b: {  	s6 =	simm.s32 $_size__tile_overlayer_lowered;
	s7 =	simm.s32 $_tile_overlayer_lowered  }
0x9c: {  	s22 =	simm.s32 $0x1BFF;
	s21 =	sshll.u32 s7, $0x1;
	s4 =	sadd.s32 s5, s19  }
0x9d: {  	s8 =	simm.s32 $0x0;
	s20 =	sshll.u32 s6, $0x1;
	s6 =	sadd.s32 s21, s4  }
0x9e: {  	[timem:s8], [sflag:s22] =	dma.local [hbm:s6], s20  }
0x9f: {  	_ =	swait.ge [sflag:s22], s20  }
0xa0: {  	s5 =	ssub.s32 $0x0, s20;
	[sflag:s22] =	ssyncset.done $0x0  }
0xa1: {  	[sflag:s22] =	ssyncadd.s32 s5;
	_ =	sdelay $0x1  }
0xa2: {  	s23 =	simm.s32 $0x1B8B  }
0xa3: {  	_ =	swait.ge [sflag:s23], $0x1  }
0xa4: {  	[sflag:s23] =	ssyncset.done $0x0  }
0xa5: {  	s25 =	simm.s32 $0x1B8E;
	s24 =	sld [smem:$0x3FFE];
	[sflag:s23] =	ssyncadd.s32 $0xFFFFFFFF  }
0xa6: {  	s26 =	simm.s32 $execute0_lowered;
	[smem:$0x3FD2] =	sst s25  }
0xa7: {  	s6 =	sshll.u32 s26, $0x1;
	_ =	strace $0x80000046;
	[dreg:$0x1] =	wrdreg $0xFFFFFFFF  }
0xa8: {  	s28 =	simm.s32 $_size_execute0_lowered;
	s4 =	sadd.s32 s4, s6;
	[dreg:$0x0] =	wrdreg $0x0  }
0xa9: {  	s6 =	sshll.u32 s28, $0x1;
	[dreg:$0x2] =	wrdreg s4  }
0xaa: {  	[dreg:$0x3] =	wrdreg s6  }
0xab: {  	[dreg:$0x4] =	wrdreg $0xC0  }
0xac: {  	_ =	task [dreg:s8], $0x5FFFF  }
0xad: {  	[dreg:$0x1] =	wrdreg $0xFFFFFFFF  }
0xae: {  	[dreg:$0x0] =	wrdreg $0x60  }
0xaf: {  	[dreg:$0x2] =	wrdreg s2  }
0xb0: {  	[dreg:$0x3] =	wrdreg s18  }
0xb1: {  	[dreg:$0x4] =	wrdreg s24  }
0xb2: {  	[dreg:$0x5] =	wrdreg $0xA  }
0xb3: {  	_ =	task.clear_ibuf [dreg:s8], $0x6FFFF;
	_ =	strace $0x90000046  }
0xb4: {  	s29 =	simm.s32 $0xA;
	_ =	strace $0x80000048  }
0xb5: {  	_ =	swait.ge [sflag:s29], $0x1  }
0xb6: {  	[sflag:s29] =	ssyncadd.s32 $0xFFFFFFFF  }
0xb7: {  	_ =	strace $0x90000048  }
0xb8: {  	_ =	sfence  }
0xb9: {  	s30 =	sld [smem:$0x0];
	_ =	sdelay $0x2  }
0xba: {  	s31 =	sshll.u32 s1, $0xD;
	s1 =	sshrl.u32 s1, $0x2  }
0xbb: {  	s3 =	sand.u32 $0x4000, s31;
	s1 =	sadd.s32 s1, s30  }
0xbc: {  	s0 =	sor.u32 s3, s0;
	s1 =	sshll.u32 s1, $0x11  }
0xbd: {  	s0 =	sor.u32 s1, s0  }
0xbe: {  	s0 =	sadd.s32 $0x8F2B, s0  }
0xbf: {  	[sflag:s0] =	ssyncadd.remote.s32 $0x1  }
0xc0: {  	_ =	sfence.sel $0xFFFF  }
0xc1: {  	[dreg:$0x0] =	wrdreg $0xFFFFFFFF;
	(pc) =	sbr.abs _section_cstart, $3  }
0xc2: {  	[dreg:$0x1] =	wrdreg $0xFFFFFFFF  }
0xc3: {  	_ =	task.clear_ibuf [dreg:s8], $0x2FFFF;
	_ =	strace $0x9FFFFFFF  }
0xc4: {  	(tm) =	ssettm $0x7FFFFFFF  }
0xc5: {  	_ =	shalt  }
tec
execute0_lowered:
.L_overlay_start_1:
0x0: {  	(tag) =	ssettag $0x1  }
0x1: {  	s4 =	rddreg [dreg:$0x0]  }
0x2: {  	s2 =	rddreg [dreg:$0x1];
	s0 =	srdreg.scid  }
0x3: {  	s11 =	rddreg [dreg:$0x2];
	s16 =	sand.u32 $0x1, s0  }
0x4: {  	s1 =	stileid.u32;
	s3 =	simm.s32 $0x0;
	s5 =	sshll.u32 s16, $0x6  }
0x5: {  	s0 =	rddreg [dreg:$0x3];
	s6 =	sshll.u32 s1, $0x7;
	s4 =	sadd.s32 s5, s4  }
0x6: {  	[smem:$0x7FF] =	sst s3;
	s4 =	sadd.s32 s6, s4  }
0x7: {  	_ =	strace $0x80000047;
	s5 =	sadd.s32 $0x800, s4;
	s4 =	simm.s32 $0x3  }
0x8: {  	[tilespmem:s3], [sflag:$0x3] =	stream.linear.gather [hbm4b:s5+s3], $0x200, $0x38;
	[tilespmem:$0x8200] =	vst v63  }
0x9: {  	_ =	swait.ge [sflag:s4], $0x200  }
0xa: {  	s7 =	simm.s32 $0x200;
	s8 =	simm.s32 $0x100;
	[sflag:s4] =	ssyncset.done $0x0  }
0xb: {  	s9 =	simm.s32 $0x4200;
	s6 =	simm.s32 $0x80;
	[sflag:s4] =	ssyncadd.s32 $0xFFFFFE00  }
0xc: {  	[tilespmem:s7], [sflag:$0x1] =	stream.indirect.gather [hbm4b:s2+s6], $0x80, s3, s6, $0xb8;
	[tilespmem:$0x8200] =	vst v63  }
0xd: {  	s10 =	simm.s32 $0x1;
	s12 =	sshll.u32 s1, $0xD;
	s13 =	sshll.u32 s16, $0xC  }
0xe: {  	[tilespmem:s9], [sflag:$0x2] =	stream.indirect.gather [hbm4b:s2+s6], $0x80, s8, s6, $0xb8;
	[tilespmem:$0x8200] =	vst v63  }
0xf: {  	s12 =	sor.u32 s13, s12;
	_ =	swait.ge [sflag:s10], $0x4000  }
0x10: {  	s17 =	sadd.s32 s12, s11;
	[sflag:s10] =	ssyncset.done $0x0  }
0x11: {  	s11 =	sadd.s32 $0xC00, s17;
	[sflag:s10] =	ssyncadd.s32 $0xFFFFC000  }
0x12: {  	[hbm4b:s11+s3] =	stream.linear.scatter [tilespmem:s7], [sflag:$0x3], $0x4000, $0x38;
	[tilespmem:$0x8200] =	vst v63  }
0x13: {  	_ =	swait.ge [sflag:s4], $0x4000  }
0x14: {  	[sflag:s4] =	ssyncset.done $0x0  }
0x15: {  	s12 =	simm.s32 $0x2;
	[sflag:s4] =	ssyncadd.s32 $0xFFFFC000  }
0x16: {  	[tilespmem:s7], [sflag:$0x1] =	stream.indirect.gather [hbm4b:s2+s6], $0x80, s6, s6, $0xb8;
	[tilespmem:$0x8200] =	vst v63  }
0x17: {  	_ =	swait.ge [sflag:s12], $0x4000  }
0x18: {  	[sflag:s12] =	ssyncset.done $0x0  }
0x19: {  	s13 =	sadd.s32 $0x1400, s17;
	[sflag:s12] =	ssyncadd.s32 $0xFFFFC000  }
0x1a: {  	[hbm4b:s13+s3] =	stream.linear.scatter [tilespmem:s9], [sflag:$0x3], $0x4000, $0x38;
	[tilespmem:$0x8200] =	vst v63  }
0x1b: {  	_ =	swait.ge [sflag:s4], $0x4000  }
0x1c: {  	[sflag:s4] =	ssyncset.done $0x0  }
0x1d: {  	s14 =	simm.s32 $0x180;
	[sflag:s4] =	ssyncadd.s32 $0xFFFFC000  }
0x1e: {  	[tilespmem:s9], [sflag:$0x2] =	stream.indirect.gather [hbm4b:s2+s6], $0x80, s14, s6, $0xb8;
	[tilespmem:$0x8200] =	vst v63  }
0x1f: {  	_ =	swait.ge [sflag:s10], $0x4000  }
0x20: {  	[sflag:s10] =	ssyncset.done $0x0  }
0x21: {  	s16 =	ssub.s32 $0x2, s16;
	s15 =	sadd.s32 $0x20C00, s17;
	[sflag:s10] =	ssyncadd.s32 $0xFFFFC000  }
0x22: {  	[hbm4b:s15+s3] =	stream.linear.scatter [tilespmem:s7], [sflag:$0x3], $0x4000, $0x38;
	[tilespmem:$0x8200] =	vst v63  }
0x23: {  	s18 =	sshrl.u32 s16, $0x1;
	_ =	swait.ge [sflag:s4], $0x4000  }
0x24: {  	s18 =	ssub.s32 s16, s18;
	[sflag:s4] =	ssyncset.done $0x0  }
0x25: {  	s31 =	smax.u32 s18, $0x1;
	[sflag:s4] =	ssyncadd.s32 $0xFFFFC000  }
0x26: {  	p0 =	sne.s32 s31, $0x1;
	_ =	swait.ge [sflag:s12], $0x4000  }
.Ltmp0:
0x27: {  	[sflag:s12] =	ssyncset.done $0x0;
	(pc) =	sbr.rel @!p0 .LBB2_2-.Ltmp0, $4  }
0x28: {  	s16 =	sadd.s32 $0x21400, s17;
	[sflag:s12] =	ssyncadd.s32 $0xFFFFC000  }
0x29: {  	[hbm4b:s16+s3] =	stream.linear.scatter [tilespmem:s9], [sflag:$0x3], $0x4000, $0x38;
	[tilespmem:$0x8200] =	vst v63  }
0x2a: {  	_ =	swait.ge [sflag:s4], $0x4000  }
0x2b: {  	s17 =	sadd.s32 $0xFFFFFFFF, s31;
	[sflag:s4] =	ssyncset.done $0x0  }
.LBB2_1:
0x2c: {  	p0 =	sne.s32 s17, $0x1;
	s17 =	sadd.s32 $0xFFFFFFFF, s17;
	[sflag:s4] =	ssyncadd.s32 $0xFFFFC000  }
0x2d: {  	[tilespmem:s3], [sflag:$0x3] =	stream.linear.gather [hbm4b:s5+s3], $0x200, $0x38;
	[tilespmem:$0x8200] =	vst v63  }
0x2e: {  	_ =	swait.ge [sflag:s4], $0x200  }
0x2f: {  	[sflag:s4] =	ssyncset.done $0x0  }
0x30: {  	[sflag:s4] =	ssyncadd.s32 $0xFFFFFE00  }
0x31: {  	[tilespmem:s7], [sflag:$0x1] =	stream.indirect.gather [hbm4b:s2+s6], $0x80, s3, s6, $0xb8;
	[tilespmem:$0x8200] =	vst v63  }
0x32: {  	_ = 	snop  }
0x33: {  	[tilespmem:s9], [sflag:$0x2] =	stream.indirect.gather [hbm4b:s2+s6], $0x80, s8, s6, $0xb8;
	[tilespmem:$0x8200] =	vst v63  }
0x34: {  	_ =	swait.ge [sflag:s10], $0x4000  }
0x35: {  	[sflag:s10] =	ssyncset.done $0x0  }
0x36: {  	[sflag:s10] =	ssyncadd.s32 $0xFFFFC000  }
0x37: {  	[hbm4b:s11+s3] =	stream.linear.scatter [tilespmem:s7], [sflag:$0x3], $0x4000, $0x38;
	[tilespmem:$0x8200] =	vst v63  }
0x38: {  	_ =	swait.ge [sflag:s4], $0x4000  }
0x39: {  	[sflag:s4] =	ssyncset.done $0x0  }
0x3a: {  	[sflag:s4] =	ssyncadd.s32 $0xFFFFC000  }
0x3b: {  	[tilespmem:s7], [sflag:$0x1] =	stream.indirect.gather [hbm4b:s2+s6], $0x80, s6, s6, $0xb8;
	[tilespmem:$0x8200] =	vst v63  }
0x3c: {  	_ =	swait.ge [sflag:s12], $0x4000  }
0x3d: {  	[sflag:s12] =	ssyncset.done $0x0  }
0x3e: {  	[sflag:s12] =	ssyncadd.s32 $0xFFFFC000  }
0x3f: {  	[hbm4b:s13+s3] =	stream.linear.scatter [tilespmem:s9], [sflag:$0x3], $0x4000, $0x38;
	[tilespmem:$0x8200] =	vst v63  }
0x40: {  	_ =	swait.ge [sflag:s4], $0x4000  }
0x41: {  	[sflag:s4] =	ssyncset.done $0x0  }
0x42: {  	[sflag:s4] =	ssyncadd.s32 $0xFFFFC000  }
0x43: {  	[tilespmem:s9], [sflag:$0x2] =	stream.indirect.gather [hbm4b:s2+s6], $0x80, s14, s6, $0xb8;
	[tilespmem:$0x8200] =	vst v63  }
0x44: {  	_ =	swait.ge [sflag:s10], $0x4000  }
0x45: {  	[sflag:s10] =	ssyncset.done $0x0  }
0x46: {  	[sflag:s10] =	ssyncadd.s32 $0xFFFFC000  }
0x47: {  	[hbm4b:s15+s3] =	stream.linear.scatter [tilespmem:s7], [sflag:$0x3], $0x4000, $0x38;
	[tilespmem:$0x8200] =	vst v63  }
0x48: {  	_ =	swait.ge [sflag:s4], $0x4000  }
0x49: {  	[sflag:s4] =	ssyncset.done $0x0  }
0x4a: {  	[sflag:s4] =	ssyncadd.s32 $0xFFFFC000  }
0x4b: {  	_ =	swait.ge [sflag:s12], $0x4000  }
.Ltmp1:
0x4c: {  	[sflag:s12] =	ssyncset.done $0x0;
	(pc) =	sbr.rel @p0 .LBB2_1-.Ltmp1, $4  }
0x4d: {  	[sflag:s12] =	ssyncadd.s32 $0xFFFFC000  }
0x4e: {  	[hbm4b:s16+s3] =	stream.linear.scatter [tilespmem:s9], [sflag:$0x3], $0x4000, $0x38;
	[tilespmem:$0x8200] =	vst v63  }
0x4f: {  	_ =	swait.ge [sflag:s4], $0x4000  }
0x50: {  	[sflag:s4] =	ssyncset.done $0x0  }
.LBB2_2:
0x51: {  	[sflag:s4] =	ssyncadd.s32 $0xFFFFC000  }
0x52: {  	_ =	sfence.sel $0x180000  }
0x53: {  	[bflag:$0x0] =	sbarrier.arrive $0xFFFF  }
0x54: {  	p0 =	sne.s32 s1, $0x0;
	_ =	strace $0x90000047  }
0x55: {  	s0 =	sadd.s32 @!p0 $0x100000, s0;
	[bflag:$0x2] =	sbarrier.arrive $0xFFFF  }
0x56: {  	[sflag:s0] =	ssyncadd.tile.s32 @!p0 $0x1;
	_ =	shalt  }
.Lfunc_end2:
_tile_overlayer_lowered:
.L_overlay_start_2:
0x57: {  	(tag) =	ssettag $0x2  }
0x58: {  	s0 =	rddreg [dreg:$0x0];
	s2 =	stileid.u32  }
0x59: {  	s1 =	rddreg [dreg:$0x1];
	p0 =	sne.s32 s2, $0x0  }
0x5a: {  	s3 =	rddreg [dreg:$0x2];
	[bflag:$0x3] =	sbarrier.arrive $0xFFFF;
	s2 =	simm.s32 @!p0 $0x1C03  }
0x5b: {  	[timem:s3], [sflag:s2] =	dma.local @!p0 [hbm:s0], s1  }
0x5c: {  	s0 =	simm.s32 @!p0 $0x3  }
0x5d: {  	_ =	swait.ge @!p0 [sflag:s0], s1  }
0x5e: {  	s1 =	ssub.s32 @!p0 $0x0, s1;
	[sflag:s0] =	ssyncset.done @!p0 $0x0  }
0x5f: {  	[sflag:s0] =	ssyncadd.s32 @!p0 s1  }
0x60: {  	[bflag:$0x3] =	sbarrier.arrive $0xFFFF  }
0x61: {  	_ =	shalt  }

</sc_bundles>
